<compile_context>
chip_gen: v7x
topology: tpu7x:2x2x1
jax: 0.10.2.dev20260603
libtpu: 0.0.44.dev20260713+nightly
codegen_flags: <defaults>
</compile_context>

<pallas_src>
import functools
import jax
import jax.numpy as jnp
from jax import lax
from jax.experimental import pallas as pl
from jax.experimental.pallas import tpu as pltpu
from jax.experimental.pallas import tpu_sc as plsc

HID = 128
LANES = 16
NC = 2
NS = 16
NW = NC * NS
NBUF = 5


def _make_kernel(B, S):
    assert B % NW == 0
    bs_per_w = B // NW
    assert bs_per_w % 8 == 0
    nchunks = S
    assert nchunks % NBUF == 0

    mesh = plsc.VectorSubcoreMesh(core_axis_name="c", subcore_axis_name="s")

    @functools.partial(
        pl.kernel,
        mesh=mesh,
        out_type=jax.ShapeDtypeStruct((S, B, HID), jnp.float32),
        scratch_types=[
            pltpu.VMEM((S, bs_per_w), jnp.int32),
            pltpu.VMEM((S, HID), jnp.float32),
        ] + [pltpu.VMEM((bs_per_w, HID), jnp.float32)
             for _ in range(NBUF)] + [
            pltpu.SemaphoreType.DMA((NBUF,)),
            pltpu.SemaphoreType.DMA((NBUF,)),
        ],
    )
    def k(srct_hbm, tok_hbm, pos_hbm, out_hbm, idx_v, pos_v, b0, b1, b2, b3,
          b4, gsem, ssem):
        bufs = [b0, b1, b2, b3, b4]
        c = lax.axis_index("c")
        s = lax.axis_index("s")
        wid = s * NC + c
        base = wid * bs_per_w

        pltpu.sync_copy(srct_hbm.at[:, pl.ds(base, bs_per_w)], idx_v)
        pltpu.sync_copy(pos_hbm, pos_v)

        scale = jnp.float32(HID ** 0.5)

        def issue_gather(g, b):
            pltpu.async_copy(tok_hbm.at[idx_v.at[g]], bufs[b], gsem.at[b])

        def wait_gather(g, b):
            pltpu.make_async_copy(tok_hbm.at[idx_v.at[g]], bufs[b],
                                  gsem.at[b]).wait()

        def out_slice(g):
            return out_hbm.at[g, pl.ds(base, bs_per_w)]

        def wait_store(g, b):
            pltpu.make_async_copy(bufs[b], out_slice(g), ssem.at[b]).wait()

        issue_gather(jnp.int32(0), 0)
        issue_gather(jnp.int32(1), 1)
        issue_gather(jnp.int32(2), 2)

        def outer_body(i, carry):
            for b in range(NBUF):
                g = i * NBUF + b
                nb = (b + 3) % NBUF

                @pl.when(g + 3 < nchunks)
                def _():
                    @pl.when(g >= 2)
                    def _():
                        wait_store(g - 2, nb)
                    issue_gather(g + 3, nb)

                wait_gather(g, b)

                buf = bufs[b]
                pvec = [pos_v[g, pl.ds(j * LANES, LANES)]
                        for j in range(HID // LANES)]

                @plsc.parallel_loop(0, bs_per_w, unroll=2)
                def fma(r):
                    for j in range(HID // LANES):
                        col = pl.ds(j * LANES, LANES)
                        buf[r, col] = buf[r, col] * scale + pvec[j]

                pltpu.async_copy(buf, out_slice(g), ssem.at[b])
            return carry

        lax.fori_loop(0, nchunks // NBUF, outer_body, 0)

        for j in range(NBUF):
            g = nchunks - NBUF + j
            wait_store(g, g % NBUF)

    return k


def kernel(src, tok_table, pos_table):
    B, S = src.shape
    src_t = jnp.transpose(jnp.asarray(src, jnp.int32))
    out_sb = _make_kernel(B, S)(src_t, tok_table, pos_table[:S])
    return jnp.transpose(out_sb, (1, 0, 2))

# --- scband reference (transcript-rebuilt; emitter-appended) ---
"""Pipeline reference for scband-embedding-enc-layer-25099788877857 (READ-ONLY COPY).

The authoritative reference and input builder live on the scoring server;
editing this copy changes nothing except your own understanding.
"""

import jax, jax.numpy as jnp
import numpy as np

VOCAB = 100000
MAX_POS = 100
HID = 128
BATCH = 4096
SEQ = 50

def setup_inputs(seed: int = 0) -> dict:
    key = jax.random.key(seed)
    k1, k2, k3 = jax.random.split(key, 3)
    src = jax.random.randint(k1, (BATCH, SEQ), 0, VOCAB, dtype=jnp.int64 if jax.config.jax_enable_x64 else jnp.int32)
    tok_table = jax.random.normal(k2, (VOCAB, HID), dtype=jnp.float32)
    pos_table = jax.random.normal(k3, (MAX_POS, HID), dtype=jnp.float32)
    return {"src": src, "tok_table": tok_table, "pos_table": pos_table}

def reference(src, tok_table, pos_table):
    # EmbeddingEncLayer.forward (dropout is identity in eval mode)
    batch_size, src_len = src.shape
    scale = jnp.float32(HID ** 0.5)
    pos = jnp.arange(0, src_len)  # [S]
    tok_emb = jnp.take(tok_table, src, axis=0)      # [B, S, H] gather
    pos_emb = jnp.take(pos_table, pos, axis=0)      # [S, H] gather
    out = tok_emb * scale + pos_emb[None, :, :]
    return out

if __name__ == "__main__":
    import jax
    _d = setup_inputs()
    print(jax.jit(kernel)(*tuple(_d.values())))

</pallas_src>

<mosaic_0001>
#map = affine_map<(d0, d1) -> (0, 0)>
#map1 = affine_map<(d0, d1) -> (0, 0, 0)>
module attributes {stable_mosaic.version = 14 : i64} {
  func.func @k(%arg0: i32, %arg1: i32, %arg2: memref<50x4096xi32, #tpu.memory_space<hbm>>, %arg3: memref<100000x128xf32, #tpu.memory_space<hbm>>, %arg4: memref<50x128xf32, #tpu.memory_space<hbm>>, %arg5: memref<50x4096x128xf32, #tpu.memory_space<hbm>>, %arg6: memref<50x128xi32, #tpu.memory_space<vmem>>, %arg7: memref<50x128xf32, #tpu.memory_space<vmem>>, %arg8: memref<128x128xf32, #tpu.memory_space<vmem>>, %arg9: memref<128x128xf32, #tpu.memory_space<vmem>>, %arg10: memref<128x128xf32, #tpu.memory_space<vmem>>, %arg11: memref<128x128xf32, #tpu.memory_space<vmem>>, %arg12: memref<128x128xf32, #tpu.memory_space<vmem>>, %arg13: memref<5x!tpu.dma_semaphore, #tpu.memory_space<semaphore_mem>>, %arg14: memref<5x!tpu.dma_semaphore, #tpu.memory_space<semaphore_mem>>) attributes {dimension_semantics = [#tpu.dimension_semantics<core_parallel>, #tpu.dimension_semantics<subcore_parallel>], iteration_bounds = array<i64: 2, 16>, scalar_prefetch = 0 : i64, scratch_operands = 9 : i64, tpu.core_type = #tpu.core_type<sc_vector_subcore>, window_params = [{transform_indices = #map}, {transform_indices = #map}, {transform_indices = #map}, {transform_indices = #map1}]} {
    %mul3A = arith.constant 2 : i32
    %mul3A_0 = arith.muli %arg1, %mul3A : i32
    %add3A = arith.addi %mul3A_0, %arg0 : i32
    %mul3A_1 = arith.constant 128 : i32
    %mul3A_2 = arith.muli %add3A, %mul3A_1 : i32
    "tpu.region"() ({
      %run_scoped3A = tpu.sem_alloc : memref<!tpu.dma_semaphore, #tpu.memory_space<semaphore_mem>>
      %dma_start3A_87 = arith.constant 0 : i32
      %dma_start3A_88 = tpu.memref_slice %arg2[%dma_start3A_87, %mul3A_2] : memref<50x4096xi32, #tpu.memory_space<hbm>> -> memref<50x128xi32, #tpu.memory_space<hbm>>
      %dma_start3A_89 = arith.constant 0 : i32
      %dma_start3A_90 = tpu.memref_slice %arg2[%dma_start3A_89, %mul3A_2] : memref<50x4096xi32, #tpu.memory_space<hbm>> -> memref<50x128xi32, #tpu.memory_space<hbm>>
      tpu.enqueue_dma source(%dma_start3A_90 : memref<50x128xi32, #tpu.memory_space<hbm>>) target(%arg6 : memref<50x128xi32, #tpu.memory_space<vmem>>) target_semaphore(%run_scoped3A : memref<!tpu.dma_semaphore, #tpu.memory_space<semaphore_mem>>)
      %dma_wait3A_91 = arith.constant 0 : i32
      %dma_wait3A_92 = tpu.memref_slice %arg2[%dma_wait3A_91, %mul3A_2] : memref<50x4096xi32, #tpu.memory_space<hbm>> -> memref<50x128xi32, #tpu.memory_space<hbm>>
      %dma_wait3A_93 = arith.constant 0 : i32
      %dma_wait3A_94 = tpu.memref_slice %arg2[%dma_wait3A_93, %mul3A_2] : memref<50x4096xi32, #tpu.memory_space<hbm>> -> memref<50x128xi32, #tpu.memory_space<hbm>>
      tpu.wait_dma2 semaphore(%run_scoped3A : memref<!tpu.dma_semaphore, #tpu.memory_space<semaphore_mem>>) src(%dma_wait3A_94 : memref<50x128xi32, #tpu.memory_space<hbm>>) dst(%arg6 : memref<50x128xi32, #tpu.memory_space<vmem>>)
      tpu.yield
    }) : () -> ()
    "tpu.region"() ({
      %run_scoped3A = tpu.sem_alloc : memref<!tpu.dma_semaphore, #tpu.memory_space<semaphore_mem>>
      tpu.enqueue_dma source(%arg4 : memref<50x128xf32, #tpu.memory_space<hbm>>) target(%arg7 : memref<50x128xf32, #tpu.memory_space<vmem>>) target_semaphore(%run_scoped3A : memref<!tpu.dma_semaphore, #tpu.memory_space<semaphore_mem>>)
      tpu.wait_dma2 semaphore(%run_scoped3A : memref<!tpu.dma_semaphore, #tpu.memory_space<semaphore_mem>>) src(%arg4 : memref<50x128xf32, #tpu.memory_space<hbm>>) dst(%arg7 : memref<50x128xf32, #tpu.memory_space<vmem>>)
      tpu.yield
    }) : () -> ()
    %dma_start3A = arith.constant 0 : i32
    %dma_start3A_3 = arith.constant 0 : i32
    %dma_start3A_4 = arith.constant 0 : i32
    %dma_start3A_5 = tpu.memref_slice %arg6[%dma_start3A, %dma_start3A_4] : memref<50x128xi32, #tpu.memory_space<vmem>> -> memref<1x128xi32, #tpu.memory_space<vmem>>
    %dma_start3A_6 = tpu.memref_squeeze %dma_start3A_5 : memref<1x128xi32, #tpu.memory_space<vmem>> -> memref<128xi32, #tpu.memory_space<vmem>>
    %dma_start3A_7 = arith.constant 0 : i32
    %dma_start3A_8 = arith.constant 0 : i32
    %dma_start3A_9 = tpu.memref_slice %arg3[%dma_start3A_7, %dma_start3A_8] : memref<100000x128xf32, #tpu.memory_space<hbm>> -> memref<100000x128xf32, #tpu.memory_space<hbm>>
    %dma_start3A_10 = tpu.memref_slice %arg13[%dma_start3A_3] : memref<5x!tpu.dma_semaphore, #tpu.memory_space<semaphore_mem>> -> memref<1x!tpu.dma_semaphore, #tpu.memory_space<semaphore_mem>>
    %dma_start3A_11 = tpu.memref_squeeze %dma_start3A_10 : memref<1x!tpu.dma_semaphore, #tpu.memory_space<semaphore_mem>> -> memref<!tpu.dma_semaphore, #tpu.memory_space<semaphore_mem>>
    tpu.enqueue_indirect_dma source(%dma_start3A_9 : memref<100000x128xf32, #tpu.memory_space<hbm>>) target(%arg8 : memref<128x128xf32, #tpu.memory_space<vmem>>) offsets(%dma_start3A_6 : memref<128xi32, #tpu.memory_space<vmem>>) semaphore(%dma_start3A_11 : memref<!tpu.dma_semaphore, #tpu.memory_space<semaphore_mem>>)
    %dma_start3A_12 = arith.constant 1 : i32
    %dma_start3A_13 = arith.constant 1 : i32
    %dma_start3A_14 = arith.constant 0 : i32
    %dma_start3A_15 = tpu.memref_slice %arg6[%dma_start3A_12, %dma_start3A_14] : memref<50x128xi32, #tpu.memory_space<vmem>> -> memref<1x128xi32, #tpu.memory_space<vmem>>
    %dma_start3A_16 = tpu.memref_squeeze %dma_start3A_15 : memref<1x128xi32, #tpu.memory_space<vmem>> -> memref<128xi32, #tpu.memory_space<vmem>>
    %dma_start3A_17 = arith.constant 0 : i32
    %dma_start3A_18 = arith.constant 0 : i32
    %dma_start3A_19 = tpu.memref_slice %arg3[%dma_start3A_17, %dma_start3A_18] : memref<100000x128xf32, #tpu.memory_space<hbm>> -> memref<100000x128xf32, #tpu.memory_space<hbm>>
    %dma_start3A_20 = tpu.memref_slice %arg13[%dma_start3A_13] : memref<5x!tpu.dma_semaphore, #tpu.memory_space<semaphore_mem>> -> memref<1x!tpu.dma_semaphore, #tpu.memory_space<semaphore_mem>>
    %dma_start3A_21 = tpu.memref_squeeze %dma_start3A_20 : memref<1x!tpu.dma_semaphore, #tpu.memory_space<semaphore_mem>> -> memref<!tpu.dma_semaphore, #tpu.memory_space<semaphore_mem>>
    tpu.enqueue_indirect_dma source(%dma_start3A_19 : memref<100000x128xf32, #tpu.memory_space<hbm>>) target(%arg9 : memref<128x128xf32, #tpu.memory_space<vmem>>) offsets(%dma_start3A_16 : memref<128xi32, #tpu.memory_space<vmem>>) semaphore(%dma_start3A_21 : memref<!tpu.dma_semaphore, #tpu.memory_space<semaphore_mem>>)
    %dma_start3A_22 = arith.constant 2 : i32
    %dma_start3A_23 = arith.constant 2 : i32
    %dma_start3A_24 = arith.constant 0 : i32
    %dma_start3A_25 = tpu.memref_slice %arg6[%dma_start3A_22, %dma_start3A_24] : memref<50x128xi32, #tpu.memory_space<vmem>> -> memref<1x128xi32, #tpu.memory_space<vmem>>
    %dma_start3A_26 = tpu.memref_squeeze %dma_start3A_25 : memref<1x128xi32, #tpu.memory_space<vmem>> -> memref<128xi32, #tpu.memory_space<vmem>>
    %dma_start3A_27 = arith.constant 0 : i32
    %dma_start3A_28 = arith.constant 0 : i32
    %dma_start3A_29 = tpu.memref_slice %arg3[%dma_start3A_27, %dma_start3A_28] : memref<100000x128xf32, #tpu.memory_space<hbm>> -> memref<100000x128xf32, #tpu.memory_space<hbm>>
    %dma_start3A_30 = tpu.memref_slice %arg13[%dma_start3A_23] : memref<5x!tpu.dma_semaphore, #tpu.memory_space<semaphore_mem>> -> memref<1x!tpu.dma_semaphore, #tpu.memory_space<semaphore_mem>>
    %dma_start3A_31 = tpu.memref_squeeze %dma_start3A_30 : memref<1x!tpu.dma_semaphore, #tpu.memory_space<semaphore_mem>> -> memref<!tpu.dma_semaphore, #tpu.memory_space<semaphore_mem>>
    tpu.enqueue_indirect_dma source(%dma_start3A_29 : memref<100000x128xf32, #tpu.memory_space<hbm>>) target(%arg10 : memref<128x128xf32, #tpu.memory_space<vmem>>) offsets(%dma_start3A_26 : memref<128xi32, #tpu.memory_space<vmem>>) semaphore(%dma_start3A_31 : memref<!tpu.dma_semaphore, #tpu.memory_space<semaphore_mem>>)
    %scan3A = arith.constant 0 : i32
    %scan3A_32 = arith.constant 11.3137083 : f32
    %scan3A_33 = arith.constant 0 : i32
    %scan3A_34 = arith.constant 10 : i32
    %scan3A_35 = arith.addi %scan3A_33, %scan3A_34 : i32
    %scan3A_36 = arith.constant 1 : i32
    scf.for %scan3A_87 = %scan3A_33 to %scan3A_35 step %scan3A_36  : i32 {
      %mul3A_88 = arith.constant 5 : i32
      %mul3A_89 = arith.muli %scan3A_87, %mul3A_88 : i32
      %add3A_90 = arith.constant 0 : i32
      %add3A_91 = arith.addi %mul3A_89, %add3A_90 : i32
      %add3A_92 = arith.constant 3 : i32
      %add3A_93 = arith.addi %add3A_91, %add3A_92 : i32
      %lt3A = arith.constant 50 : i32
      %lt3A_94 = arith.cmpi slt, %add3A_93, %lt3A : i32
      %convert_element_type3A = arith.extui %lt3A_94 : i1 to i32
      %cond3A = arith.constant 0 : i32
      %cond3A_95 = arith.cmpi ne, %convert_element_type3A, %cond3A : i32
      scf.if %cond3A_95 {
        %ge3A = arith.constant 2 : i32
        %ge3A_403 = arith.cmpi sge, %add3A_91, %ge3A : i32
        %convert_element_type3A_404 = arith.extui %ge3A_403 : i1 to i32
        %cond3A_405 = arith.constant 0 : i32
        %cond3A_406 = arith.cmpi ne, %convert_element_type3A_404, %cond3A_405 : i32
        scf.if %cond3A_406 {
          %sub3A = arith.constant 2 : i32
          %sub3A_418 = arith.subi %add3A_91, %sub3A : i32
          %dma_wait3A_419 = arith.constant 3 : i32
          %dma_wait3A_420 = arith.constant 0 : i32
          %dma_wait3A_421 = tpu.memref_slice %arg5[%sub3A_418, %mul3A_2, %dma_wait3A_420] : memref<50x4096x128xf32, #tpu.memory_space<hbm>> -> memref<1x128x128xf32, #tpu.memory_space<hbm>>
          %dma_wait3A_422 = tpu.memref_squeeze %dma_wait3A_421 : memref<1x128x128xf32, #tpu.memory_space<hbm>> -> memref<128x128xf32, #tpu.memory_space<hbm>>
          %dma_wait3A_423 = tpu.memref_slice %arg14[%dma_wait3A_419] : memref<5x!tpu.dma_semaphore, #tpu.memory_space<semaphore_mem>> -> memref<1x!tpu.dma_semaphore, #tpu.memory_space<semaphore_mem>>
          %dma_wait3A_424 = tpu.memref_squeeze %dma_wait3A_423 : memref<1x!tpu.dma_semaphore, #tpu.memory_space<semaphore_mem>> -> memref<!tpu.dma_semaphore, #tpu.memory_space<semaphore_mem>>
          %dma_wait3A_425 = arith.constant 0 : i32
          %dma_wait3A_426 = tpu.memref_slice %arg5[%sub3A_418, %mul3A_2, %dma_wait3A_425] : memref<50x4096x128xf32, #tpu.memory_space<hbm>> -> memref<1x128x128xf32, #tpu.memory_space<hbm>>
          %dma_wait3A_427 = tpu.memref_squeeze %dma_wait3A_426 : memref<1x128x128xf32, #tpu.memory_space<hbm>> -> memref<128x128xf32, #tpu.memory_space<hbm>>
          tpu.wait_dma2 semaphore(%dma_wait3A_424 : memref<!tpu.dma_semaphore, #tpu.memory_space<semaphore_mem>>) src(%arg11 : memref<128x128xf32, #tpu.memory_space<vmem>>) dst(%dma_wait3A_427 : memref<128x128xf32, #tpu.memory_space<hbm>>)
        } else {
        }
        %add3A_407 = arith.constant 3 : i32
        %add3A_408 = arith.addi %add3A_91, %add3A_407 : i32
        %dma_start3A_409 = arith.constant 3 : i32
        %dma_start3A_410 = arith.constant 0 : i32
        %dma_start3A_411 = tpu.memref_slice %arg6[%add3A_408, %dma_start3A_410] : memref<50x128xi32, #tpu.memory_space<vmem>> -> memref<1x128xi32, #tpu.memory_space<vmem>>
        %dma_start3A_412 = tpu.memref_squeeze %dma_start3A_411 : memref<1x128xi32, #tpu.memory_space<vmem>> -> memref<128xi32, #tpu.memory_space<vmem>>
        %dma_start3A_413 = arith.constant 0 : i32
        %dma_start3A_414 = arith.constant 0 : i32
        %dma_start3A_415 = tpu.memref_slice %arg3[%dma_start3A_413, %dma_start3A_414] : memref<100000x128xf32, #tpu.memory_space<hbm>> -> memref<100000x128xf32, #tpu.memory_space<hbm>>
        %dma_start3A_416 = tpu.memref_slice %arg13[%dma_start3A_409] : memref<5x!tpu.dma_semaphore, #tpu.memory_space<semaphore_mem>> -> memref<1x!tpu.dma_semaphore, #tpu.memory_space<semaphore_mem>>
        %dma_start3A_417 = tpu.memref_squeeze %dma_start3A_416 : memref<1x!tpu.dma_semaphore, #tpu.memory_space<semaphore_mem>> -> memref<!tpu.dma_semaphore, #tpu.memory_space<semaphore_mem>>
        tpu.enqueue_indirect_dma source(%dma_start3A_415 : memref<100000x128xf32, #tpu.memory_space<hbm>>) target(%arg11 : memref<128x128xf32, #tpu.memory_space<vmem>>) offsets(%dma_start3A_412 : memref<128xi32, #tpu.memory_space<vmem>>) semaphore(%dma_start3A_417 : memref<!tpu.dma_semaphore, #tpu.memory_space<semaphore_mem>>)
      } else {
      }
      %dma_wait3A_96 = arith.constant 0 : i32
      %dma_wait3A_97 = arith.constant 0 : i32
      %dma_wait3A_98 = tpu.memref_slice %arg6[%add3A_91, %dma_wait3A_97] : memref<50x128xi32, #tpu.memory_space<vmem>> -> memref<1x128xi32, #tpu.memory_space<vmem>>
      %dma_wait3A_99 = tpu.memref_squeeze %dma_wait3A_98 : memref<1x128xi32, #tpu.memory_space<vmem>> -> memref<128xi32, #tpu.memory_space<vmem>>
      %dma_wait3A_100 = arith.constant 0 : i32
      %dma_wait3A_101 = arith.constant 0 : i32
      %dma_wait3A_102 = tpu.memref_slice %arg3[%dma_wait3A_100, %dma_wait3A_101] : memref<100000x128xf32, #tpu.memory_space<hbm>> -> memref<100000x128xf32, #tpu.memory_space<hbm>>
      %dma_wait3A_103 = tpu.memref_slice %arg13[%dma_wait3A_96] : memref<5x!tpu.dma_semaphore, #tpu.memory_space<semaphore_mem>> -> memref<1x!tpu.dma_semaphore, #tpu.memory_space<semaphore_mem>>
      %dma_wait3A_104 = tpu.memref_squeeze %dma_wait3A_103 : memref<1x!tpu.dma_semaphore, #tpu.memory_space<semaphore_mem>> -> memref<!tpu.dma_semaphore, #tpu.memory_space<semaphore_mem>>
      tpu.wait_indirect_dma semaphore(%dma_wait3A_104 : memref<!tpu.dma_semaphore, #tpu.memory_space<semaphore_mem>>) src(%dma_wait3A_102 : memref<100000x128xf32, #tpu.memory_space<hbm>>) dst(%arg8 : memref<128x128xf32, #tpu.memory_space<vmem>>)
      %get3A = arith.index_cast %add3A_91 : i32 to index
      %get3A_105 = arith.constant 0 : index
      %get3A_106 = tpu.vector_load %arg7[%get3A, %get3A_105] {strides = array<i32>} : memref<50x128xf32, #tpu.memory_space<vmem>>, vector<1x16xf32>,
      %get3A_107 = vector.shape_cast %get3A_106 : vector<1x16xf32> to vector<16xf32>
      %get3A_108 = arith.index_cast %add3A_91 : i32 to index
      %get3A_109 = arith.constant 16 : index
      %get3A_110 = tpu.vector_load %arg7[%get3A_108, %get3A_109] {strides = array<i32>} : memref<50x128xf32, #tpu.memory_space<vmem>>, vector<1x16xf32>,
      %get3A_111 = vector.shape_cast %get3A_110 : vector<1x16xf32> to vector<16xf32>
      %get3A_112 = arith.index_cast %add3A_91 : i32 to index
      %get3A_113 = arith.constant 32 : index
      %get3A_114 = tpu.vector_load %arg7[%get3A_112, %get3A_113] {strides = array<i32>} : memref<50x128xf32, #tpu.memory_space<vmem>>, vector<1x16xf32>,
      %get3A_115 = vector.shape_cast %get3A_114 : vector<1x16xf32> to vector<16xf32>
      %get3A_116 = arith.index_cast %add3A_91 : i32 to index
      %get3A_117 = arith.constant 48 : index
      %get3A_118 = tpu.vector_load %arg7[%get3A_116, %get3A_117] {strides = array<i32>} : memref<50x128xf32, #tpu.memory_space<vmem>>, vector<1x16xf32>,
      %get3A_119 = vector.shape_cast %get3A_118 : vector<1x16xf32> to vector<16xf32>
      %get3A_120 = arith.index_cast %add3A_91 : i32 to index
      %get3A_121 = arith.constant 64 : index
      %get3A_122 = tpu.vector_load %arg7[%get3A_120, %get3A_121] {strides = array<i32>} : memref<50x128xf32, #tpu.memory_space<vmem>>, vector<1x16xf32>,
      %get3A_123 = vector.shape_cast %get3A_122 : vector<1x16xf32> to vector<16xf32>
      %get3A_124 = arith.index_cast %add3A_91 : i32 to index
      %get3A_125 = arith.constant 80 : index
      %get3A_126 = tpu.vector_load %arg7[%get3A_124, %get3A_125] {strides = array<i32>} : memref<50x128xf32, #tpu.memory_space<vmem>>, vector<1x16xf32>,
      %get3A_127 = vector.shape_cast %get3A_126 : vector<1x16xf32> to vector<16xf32>
      %get3A_128 = arith.index_cast %add3A_91 : i32 to index
      %get3A_129 = arith.constant 96 : index
      %get3A_130 = tpu.vector_load %arg7[%get3A_128, %get3A_129] {strides = array<i32>} : memref<50x128xf32, #tpu.memory_space<vmem>>, vector<1x16xf32>,
      %get3A_131 = vector.shape_cast %get3A_130 : vector<1x16xf32> to vector<16xf32>
      %get3A_132 = arith.index_cast %add3A_91 : i32 to index
      %get3A_133 = arith.constant 112 : index
      %get3A_134 = tpu.vector_load %arg7[%get3A_132, %get3A_133] {strides = array<i32>} : memref<50x128xf32, #tpu.memory_space<vmem>>, vector<1x16xf32>,
      %get3A_135 = vector.shape_cast %get3A_134 : vector<1x16xf32> to vector<16xf32>
      %parallel_loop3A = arith.constant 0 : i32
      %parallel_loop3A_136 = arith.constant 128 : i32
      %parallel_loop3A_137 = arith.constant 1 : i32
      scf.for %parallel_loop3A_403 = %parallel_loop3A to %parallel_loop3A_136 step %parallel_loop3A_137  : i32 {
        %parallel_loop3A_404 = arith.index_cast %parallel_loop3A_403 : i32 to index
        %parallel_loop3A_405 = arith.constant 0 : index
        %parallel_loop3A_406 = tpu.vector_load %arg8[%parallel_loop3A_404, %parallel_loop3A_405] {strides = array<i32>} : memref<128x128xf32, #tpu.memory_space<vmem>>, vector<1x16xf32>,
        %parallel_loop3A_407 = vector.shape_cast %parallel_loop3A_406 : vector<1x16xf32> to vector<16xf32>
        %parallel_loop3A_408 = vector.broadcast %scan3A_32 : f32 to vector<16xf32>
        %parallel_loop3A_409 = arith.mulf %parallel_loop3A_407, %parallel_loop3A_408 : vector<16xf32>
        %parallel_loop3A_410 = arith.addf %parallel_loop3A_409, %get3A_107 : vector<16xf32>
        %parallel_loop3A_411 = arith.index_cast %parallel_loop3A_403 : i32 to index
        %parallel_loop3A_412 = arith.constant 0 : index
        %parallel_loop3A_413 = tpu.vector_load %arg8[%parallel_loop3A_411, %parallel_loop3A_412] {strides = array<i32>} : memref<128x128xf32, #tpu.memory_space<vmem>>, vector<1x16xf32>,
        %parallel_loop3A_414 = vector.shape_cast %parallel_loop3A_413 : vector<1x16xf32> to vector<16xf32>
        %parallel_loop3A_415 = vector.shape_cast %parallel_loop3A_410 : vector<16xf32> to vector<1x16xf32>
        tpu.vector_store %arg8[%parallel_loop3A_411, %parallel_loop3A_412], %parallel_loop3A_415 {strides = array<i32>} : memref<128x128xf32, #tpu.memory_space<vmem>>, vector<1x16xf32>,
        %parallel_loop3A_416 = arith.index_cast %parallel_loop3A_403 : i32 to index
        %parallel_loop3A_417 = arith.constant 16 : index
        %parallel_loop3A_418 = tpu.vector_load %arg8[%parallel_loop3A_416, %parallel_loop3A_417] {strides = array<i32>} : memref<128x128xf32, #tpu.memory_space<vmem>>, vector<1x16xf32>,
        %parallel_loop3A_419 = vector.shape_cast %parallel_loop3A_418 : vector<1x16xf32> to vector<16xf32>
        %parallel_loop3A_420 = vector.broadcast %scan3A_32 : f32 to vector<16xf32>
        %parallel_loop3A_421 = arith.mulf %parallel_loop3A_419, %parallel_loop3A_420 : vector<16xf32>
        %parallel_loop3A_422 = arith.addf %parallel_loop3A_421, %get3A_111 : vector<16xf32>
        %parallel_loop3A_423 = arith.index_cast %parallel_loop3A_403 : i32 to index
        %parallel_loop3A_424 = arith.constant 16 : index
        %parallel_loop3A_425 = tpu.vector_load %arg8[%parallel_loop3A_423, %parallel_loop3A_424] {strides = array<i32>} : memref<128x128xf32, #tpu.memory_space<vmem>>, vector<1x16xf32>,
        %parallel_loop3A_426 = vector.shape_cast %parallel_loop3A_425 : vector<1x16xf32> to vector<16xf32>
        %parallel_loop3A_427 = vector.shape_cast %parallel_loop3A_422 : vector<16xf32> to vector<1x16xf32>
        tpu.vector_store %arg8[%parallel_loop3A_423, %parallel_loop3A_424], %parallel_loop3A_427 {strides = array<i32>} : memref<128x128xf32, #tpu.memory_space<vmem>>, vector<1x16xf32>,
        %parallel_loop3A_428 = arith.index_cast %parallel_loop3A_403 : i32 to index
        %parallel_loop3A_429 = arith.constant 32 : index
        %parallel_loop3A_430 = tpu.vector_load %arg8[%parallel_loop3A_428, %parallel_loop3A_429] {strides = array<i32>} : memref<128x128xf32, #tpu.memory_space<vmem>>, vector<1x16xf32>,
        %parallel_loop3A_431 = vector.shape_cast %parallel_loop3A_430 : vector<1x16xf32> to vector<16xf32>
        %parallel_loop3A_432 = vector.broadcast %scan3A_32 : f32 to vector<16xf32>
        %parallel_loop3A_433 = arith.mulf %parallel_loop3A_431, %parallel_loop3A_432 : vector<16xf32>
        %parallel_loop3A_434 = arith.addf %parallel_loop3A_433, %get3A_115 : vector<16xf32>
        %parallel_loop3A_435 = arith.index_cast %parallel_loop3A_403 : i32 to index
        %parallel_loop3A_436 = arith.constant 32 : index
        %parallel_loop3A_437 = tpu.vector_load %arg8[%parallel_loop3A_435, %parallel_loop3A_436] {strides = array<i32>} : memref<128x128xf32, #tpu.memory_space<vmem>>, vector<1x16xf32>,
        %parallel_loop3A_438 = vector.shape_cast %parallel_loop3A_437 : vector<1x16xf32> to vector<16xf32>
        %parallel_loop3A_439 = vector.shape_cast %parallel_loop3A_434 : vector<16xf32> to vector<1x16xf32>
        tpu.vector_store %arg8[%parallel_loop3A_435, %parallel_loop3A_436], %parallel_loop3A_439 {strides = array<i32>} : memref<128x128xf32, #tpu.memory_space<vmem>>, vector<1x16xf32>,
        %parallel_loop3A_440 = arith.index_cast %parallel_loop3A_403 : i32 to index
        %parallel_loop3A_441 = arith.constant 48 : index
        %parallel_loop3A_442 = tpu.vector_load %arg8[%parallel_loop3A_440, %parallel_loop3A_441] {strides = array<i32>} : memref<128x128xf32, #tpu.memory_space<vmem>>, vector<1x16xf32>,
        %parallel_loop3A_443 = vector.shape_cast %parallel_loop3A_442 : vector<1x16xf32> to vector<16xf32>
        %parallel_loop3A_444 = vector.broadcast %scan3A_32 : f32 to vector<16xf32>
        %parallel_loop3A_445 = arith.mulf %parallel_loop3A_443, %parallel_loop3A_444 : vector<16xf32>
        %parallel_loop3A_446 = arith.addf %parallel_loop3A_445, %get3A_119 : vector<16xf32>
        %parallel_loop3A_447 = arith.index_cast %parallel_loop3A_403 : i32 to index
        %parallel_loop3A_448 = arith.constant 48 : index
        %parallel_loop3A_449 = tpu.vector_load %arg8[%parallel_loop3A_447, %parallel_loop3A_448] {strides = array<i32>} : memref<128x128xf32, #tpu.memory_space<vmem>>, vector<1x16xf32>,
        %parallel_loop3A_450 = vector.shape_cast %parallel_loop3A_449 : vector<1x16xf32> to vector<16xf32>
        %parallel_loop3A_451 = vector.shape_cast %parallel_loop3A_446 : vector<16xf32> to vector<1x16xf32>
        tpu.vector_store %arg8[%parallel_loop3A_447, %parallel_loop3A_448], %parallel_loop3A_451 {strides = array<i32>} : memref<128x128xf32, #tpu.memory_space<vmem>>, vector<1x16xf32>,
        %parallel_loop3A_452 = arith.index_cast %parallel_loop3A_403 : i32 to index
        %parallel_loop3A_453 = arith.constant 64 : index
        %parallel_loop3A_454 = tpu.vector_load %arg8[%parallel_loop3A_452, %parallel_loop3A_453] {strides = array<i32>} : memref<128x128xf32, #tpu.memory_space<vmem>>, vector<1x16xf32>,
        %parallel_loop3A_455 = vector.shape_cast %parallel_loop3A_454 : vector<1x16xf32> to vector<16xf32>
        %parallel_loop3A_456 = vector.broadcast %scan3A_32 : f32 to vector<16xf32>
        %parallel_loop3A_457 = arith.mulf %parallel_loop3A_455, %parallel_loop3A_456 : vector<16xf32>
        %parallel_loop3A_458 = arith.addf %parallel_loop3A_457, %get3A_123 : vector<16xf32>
        %parallel_loop3A_459 = arith.index_cast %parallel_loop3A_403 : i32 to index
        %parallel_loop3A_460 = arith.constant 64 : index
        %parallel_loop3A_461 = tpu.vector_load %arg8[%parallel_loop3A_459, %parallel_loop3A_460] {strides = array<i32>} : memref<128x128xf32, #tpu.memory_space<vmem>>, vector<1x16xf32>,
        %parallel_loop3A_462 = vector.shape_cast %parallel_loop3A_461 : vector<1x16xf32> to vector<16xf32>
        %parallel_loop3A_463 = vector.shape_cast %parallel_loop3A_458 : vector<16xf32> to vector<1x16xf32>
        tpu.vector_store %arg8[%parallel_loop3A_459, %parallel_loop3A_460], %parallel_loop3A_463 {strides = array<i32>} : memref<128x128xf32, #tpu.memory_space<vmem>>, vector<1x16xf32>,
        %parallel_loop3A_464 = arith.index_cast %parallel_loop3A_403 : i32 to index
        %parallel_loop3A_465 = arith.constant 80 : index
        %parallel_loop3A_466 = tpu.vector_load %arg8[%parallel_loop3A_464, %parallel_loop3A_465] {strides = array<i32>} : memref<128x128xf32, #tpu.memory_space<vmem>>, vector<1x16xf32>,
        %parallel_loop3A_467 = vector.shape_cast %parallel_loop3A_466 : vector<1x16xf32> to vector<16xf32>
        %parallel_loop3A_468 = vector.broadcast %scan3A_32 : f32 to vector<16xf32>
        %parallel_loop3A_469 = arith.mulf %parallel_loop3A_467, %parallel_loop3A_468 : vector<16xf32>
        %parallel_loop3A_470 = arith.addf %parallel_loop3A_469, %get3A_127 : vector<16xf32>
        %parallel_loop3A_471 = arith.index_cast %parallel_loop3A_403 : i32 to index
        %parallel_loop3A_472 = arith.constant 80 : index
        %parallel_loop3A_473 = tpu.vector_load %arg8[%parallel_loop3A_471, %parallel_loop3A_472] {strides = array<i32>} : memref<128x128xf32, #tpu.memory_space<vmem>>, vector<1x16xf32>,
        %parallel_loop3A_474 = vector.shape_cast %parallel_loop3A_473 : vector<1x16xf32> to vector<16xf32>
        %parallel_loop3A_475 = vector.shape_cast %parallel_loop3A_470 : vector<16xf32> to vector<1x16xf32>
        tpu.vector_store %arg8[%parallel_loop3A_471, %parallel_loop3A_472], %parallel_loop3A_475 {strides = array<i32>} : memref<128x128xf32, #tpu.memory_space<vmem>>, vector<1x16xf32>,
        %parallel_loop3A_476 = arith.index_cast %parallel_loop3A_403 : i32 to index
        %parallel_loop3A_477 = arith.constant 96 : index
        %parallel_loop3A_478 = tpu.vector_load %arg8[%parallel_loop3A_476, %parallel_loop3A_477] {strides = array<i32>} : memref<128x128xf32, #tpu.memory_space<vmem>>, vector<1x16xf32>,
        %parallel_loop3A_479 = vector.shape_cast %parallel_loop3A_478 : vector<1x16xf32> to vector<16xf32>
        %parallel_loop3A_480 = vector.broadcast %scan3A_32 : f32 to vector<16xf32>
        %parallel_loop3A_481 = arith.mulf %parallel_loop3A_479, %parallel_loop3A_480 : vector<16xf32>
        %parallel_loop3A_482 = arith.addf %parallel_loop3A_481, %get3A_131 : vector<16xf32>
        %parallel_loop3A_483 = arith.index_cast %parallel_loop3A_403 : i32 to index
        %parallel_loop3A_484 = arith.constant 96 : index
        %parallel_loop3A_485 = tpu.vector_load %arg8[%parallel_loop3A_483, %parallel_loop3A_484] {strides = array<i32>} : memref<128x128xf32, #tpu.memory_space<vmem>>, vector<1x16xf32>,
        %parallel_loop3A_486 = vector.shape_cast %parallel_loop3A_485 : vector<1x16xf32> to vector<16xf32>
        %parallel_loop3A_487 = vector.shape_cast %parallel_loop3A_482 : vector<16xf32> to vector<1x16xf32>
        tpu.vector_store %arg8[%parallel_loop3A_483, %parallel_loop3A_484], %parallel_loop3A_487 {strides = array<i32>} : memref<128x128xf32, #tpu.memory_space<vmem>>, vector<1x16xf32>,
        %parallel_loop3A_488 = arith.index_cast %parallel_loop3A_403 : i32 to index
        %parallel_loop3A_489 = arith.constant 112 : index
        %parallel_loop3A_490 = tpu.vector_load %arg8[%parallel_loop3A_488, %parallel_loop3A_489] {strides = array<i32>} : memref<128x128xf32, #tpu.memory_space<vmem>>, vector<1x16xf32>,
        %parallel_loop3A_491 = vector.shape_cast %parallel_loop3A_490 : vector<1x16xf32> to vector<16xf32>
        %parallel_loop3A_492 = vector.broadcast %scan3A_32 : f32 to vector<16xf32>
        %parallel_loop3A_493 = arith.mulf %parallel_loop3A_491, %parallel_loop3A_492 : vector<16xf32>
        %parallel_loop3A_494 = arith.addf %parallel_loop3A_493, %get3A_135 : vector<16xf32>
        %parallel_loop3A_495 = arith.index_cast %parallel_loop3A_403 : i32 to index
        %parallel_loop3A_496 = arith.constant 112 : index
        %parallel_loop3A_497 = tpu.vector_load %arg8[%parallel_loop3A_495, %parallel_loop3A_496] {strides = array<i32>} : memref<128x128xf32, #tpu.memory_space<vmem>>, vector<1x16xf32>,
        %parallel_loop3A_498 = vector.shape_cast %parallel_loop3A_497 : vector<1x16xf32> to vector<16xf32>
        %parallel_loop3A_499 = vector.shape_cast %parallel_loop3A_494 : vector<16xf32> to vector<1x16xf32>
        tpu.vector_store %arg8[%parallel_loop3A_495, %parallel_loop3A_496], %parallel_loop3A_499 {strides = array<i32>} : memref<128x128xf32, #tpu.memory_space<vmem>>, vector<1x16xf32>,
      } {sc.loop_unroll_factor = 2 : i64, sc.parallel_access}
      %dma_start3A_138 = arith.constant 0 : i32
      %dma_start3A_139 = arith.constant 0 : i32
      %dma_start3A_140 = tpu.memref_slice %arg5[%add3A_91, %mul3A_2, %dma_start3A_139] : memref<50x4096x128xf32, #tpu.memory_space<hbm>> -> memref<1x128x128xf32, #tpu.memory_space<hbm>>
      %dma_start3A_141 = tpu.memref_squeeze %dma_start3A_140 : memref<1x128x128xf32, #tpu.memory_space<hbm>> -> memref<128x128xf32, #tpu.memory_space<hbm>>
      %dma_start3A_142 = tpu.memref_slice %arg14[%dma_start3A_138] : memref<5x!tpu.dma_semaphore, #tpu.memory_space<semaphore_mem>> -> memref<1x!tpu.dma_semaphore, #tpu.memory_space<semaphore_mem>>
      %dma_start3A_143 = tpu.memref_squeeze %dma_start3A_142 : memref<1x!tpu.dma_semaphore, #tpu.memory_space<semaphore_mem>> -> memref<!tpu.dma_semaphore, #tpu.memory_space<semaphore_mem>>
      %dma_start3A_144 = arith.constant 0 : i32
      %dma_start3A_145 = tpu.memref_slice %arg5[%add3A_91, %mul3A_2, %dma_start3A_144] : memref<50x4096x128xf32, #tpu.memory_space<hbm>> -> memref<1x128x128xf32, #tpu.memory_space<hbm>>
      %dma_start3A_146 = tpu.memref_squeeze %dma_start3A_145 : memref<1x128x128xf32, #tpu.memory_space<hbm>> -> memref<128x128xf32, #tpu.memory_space<hbm>>
      tpu.enqueue_dma source(%arg8 : memref<128x128xf32, #tpu.memory_space<vmem>>) target(%dma_start3A_146 : memref<128x128xf32, #tpu.memory_space<hbm>>) target_semaphore(%dma_start3A_143 : memref<!tpu.dma_semaphore, #tpu.memory_space<semaphore_mem>>)
      %mul3A_147 = arith.constant 5 : i32
      %mul3A_148 = arith.muli %scan3A_87, %mul3A_147 : i32
      %add3A_149 = arith.constant 1 : i32
      %add3A_150 = arith.addi %mul3A_148, %add3A_149 : i32
      %add3A_151 = arith.constant 3 : i32
      %add3A_152 = arith.addi %add3A_150, %add3A_151 : i32
      %lt3A_153 = arith.constant 50 : i32
      %lt3A_154 = arith.cmpi slt, %add3A_152, %lt3A_153 : i32
      %convert_element_type3A_155 = arith.extui %lt3A_154 : i1 to i32
      %cond3A_156 = arith.constant 0 : i32
      %cond3A_157 = arith.cmpi ne, %convert_element_type3A_155, %cond3A_156 : i32
      scf.if %cond3A_157 {
        %ge3A = arith.constant 2 : i32
        %ge3A_403 = arith.cmpi sge, %add3A_150, %ge3A : i32
        %convert_element_type3A_404 = arith.extui %ge3A_403 : i1 to i32
        %cond3A_405 = arith.constant 0 : i32
        %cond3A_406 = arith.cmpi ne, %convert_element_type3A_404, %cond3A_405 : i32
        scf.if %cond3A_406 {
          %sub3A = arith.constant 2 : i32
          %sub3A_418 = arith.subi %add3A_150, %sub3A : i32
          %dma_wait3A_419 = arith.constant 4 : i32
          %dma_wait3A_420 = arith.constant 0 : i32
          %dma_wait3A_421 = tpu.memref_slice %arg5[%sub3A_418, %mul3A_2, %dma_wait3A_420] : memref<50x4096x128xf32, #tpu.memory_space<hbm>> -> memref<1x128x128xf32, #tpu.memory_space<hbm>>
          %dma_wait3A_422 = tpu.memref_squeeze %dma_wait3A_421 : memref<1x128x128xf32, #tpu.memory_space<hbm>> -> memref<128x128xf32, #tpu.memory_space<hbm>>
          %dma_wait3A_423 = tpu.memref_slice %arg14[%dma_wait3A_419] : memref<5x!tpu.dma_semaphore, #tpu.memory_space<semaphore_mem>> -> memref<1x!tpu.dma_semaphore, #tpu.memory_space<semaphore_mem>>
          %dma_wait3A_424 = tpu.memref_squeeze %dma_wait3A_423 : memref<1x!tpu.dma_semaphore, #tpu.memory_space<semaphore_mem>> -> memref<!tpu.dma_semaphore, #tpu.memory_space<semaphore_mem>>
          %dma_wait3A_425 = arith.constant 0 : i32
          %dma_wait3A_426 = tpu.memref_slice %arg5[%sub3A_418, %mul3A_2, %dma_wait3A_425] : memref<50x4096x128xf32, #tpu.memory_space<hbm>> -> memref<1x128x128xf32, #tpu.memory_space<hbm>>
          %dma_wait3A_427 = tpu.memref_squeeze %dma_wait3A_426 : memref<1x128x128xf32, #tpu.memory_space<hbm>> -> memref<128x128xf32, #tpu.memory_space<hbm>>
          tpu.wait_dma2 semaphore(%dma_wait3A_424 : memref<!tpu.dma_semaphore, #tpu.memory_space<semaphore_mem>>) src(%arg12 : memref<128x128xf32, #tpu.memory_space<vmem>>) dst(%dma_wait3A_427 : memref<128x128xf32, #tpu.memory_space<hbm>>)
        } else {
        }
        %add3A_407 = arith.constant 3 : i32
        %add3A_408 = arith.addi %add3A_150, %add3A_407 : i32
        %dma_start3A_409 = arith.constant 4 : i32
        %dma_start3A_410 = arith.constant 0 : i32
        %dma_start3A_411 = tpu.memref_slice %arg6[%add3A_408, %dma_start3A_410] : memref<50x128xi32, #tpu.memory_space<vmem>> -> memref<1x128xi32, #tpu.memory_space<vmem>>
        %dma_start3A_412 = tpu.memref_squeeze %dma_start3A_411 : memref<1x128xi32, #tpu.memory_space<vmem>> -> memref<128xi32, #tpu.memory_space<vmem>>
        %dma_start3A_413 = arith.constant 0 : i32
        %dma_start3A_414 = arith.constant 0 : i32
        %dma_start3A_415 = tpu.memref_slice %arg3[%dma_start3A_413, %dma_start3A_414] : memref<100000x128xf32, #tpu.memory_space<hbm>> -> memref<100000x128xf32, #tpu.memory_space<hbm>>
        %dma_start3A_416 = tpu.memref_slice %arg13[%dma_start3A_409] : memref<5x!tpu.dma_semaphore, #tpu.memory_space<semaphore_mem>> -> memref<1x!tpu.dma_semaphore, #tpu.memory_space<semaphore_mem>>
        %dma_start3A_417 = tpu.memref_squeeze %dma_start3A_416 : memref<1x!tpu.dma_semaphore, #tpu.memory_space<semaphore_mem>> -> memref<!tpu.dma_semaphore, #tpu.memory_space<semaphore_mem>>
        tpu.enqueue_indirect_dma source(%dma_start3A_415 : memref<100000x128xf32, #tpu.memory_space<hbm>>) target(%arg12 : memref<128x128xf32, #tpu.memory_space<vmem>>) offsets(%dma_start3A_412 : memref<128xi32, #tpu.memory_space<vmem>>) semaphore(%dma_start3A_417 : memref<!tpu.dma_semaphore, #tpu.memory_space<semaphore_mem>>)
      } else {
      }
      %dma_wait3A_158 = arith.constant 1 : i32
      %dma_wait3A_159 = arith.constant 0 : i32
      %dma_wait3A_160 = tpu.memref_slice %arg6[%add3A_150, %dma_wait3A_159] : memref<50x128xi32, #tpu.memory_space<vmem>> -> memref<1x128xi32, #tpu.memory_space<vmem>>
      %dma_wait3A_161 = tpu.memref_squeeze %dma_wait3A_160 : memref<1x128xi32, #tpu.memory_space<vmem>> -> memref<128xi32, #tpu.memory_space<vmem>>
      %dma_wait3A_162 = arith.constant 0 : i32
      %dma_wait3A_163 = arith.constant 0 : i32
      %dma_wait3A_164 = tpu.memref_slice %arg3[%dma_wait3A_162, %dma_wait3A_163] : memref<100000x128xf32, #tpu.memory_space<hbm>> -> memref<100000x128xf32, #tpu.memory_space<hbm>>
      %dma_wait3A_165 = tpu.memref_slice %arg13[%dma_wait3A_158] : memref<5x!tpu.dma_semaphore, #tpu.memory_space<semaphore_mem>> -> memref<1x!tpu.dma_semaphore, #tpu.memory_space<semaphore_mem>>
      %dma_wait3A_166 = tpu.memref_squeeze %dma_wait3A_165 : memref<1x!tpu.dma_semaphore, #tpu.memory_space<semaphore_mem>> -> memref<!tpu.dma_semaphore, #tpu.memory_space<semaphore_mem>>
      tpu.wait_indirect_dma semaphore(%dma_wait3A_166 : memref<!tpu.dma_semaphore, #tpu.memory_space<semaphore_mem>>) src(%dma_wait3A_164 : memref<100000x128xf32, #tpu.memory_space<hbm>>) dst(%arg9 : memref<128x128xf32, #tpu.memory_space<vmem>>)
      %get3A_167 = arith.index_cast %add3A_150 : i32 to index
      %get3A_168 = arith.constant 0 : index
      %get3A_169 = tpu.vector_load %arg7[%get3A_167, %get3A_168] {strides = array<i32>} : memref<50x128xf32, #tpu.memory_space<vmem>>, vector<1x16xf32>,
      %get3A_170 = vector.shape_cast %get3A_169 : vector<1x16xf32> to vector<16xf32>
      %get3A_171 = arith.index_cast %add3A_150 : i32 to index
      %get3A_172 = arith.constant 16 : index
      %get3A_173 = tpu.vector_load %arg7[%get3A_171, %get3A_172] {strides = array<i32>} : memref<50x128xf32, #tpu.memory_space<vmem>>, vector<1x16xf32>,
      %get3A_174 = vector.shape_cast %get3A_173 : vector<1x16xf32> to vector<16xf32>
      %get3A_175 = arith.index_cast %add3A_150 : i32 to index
      %get3A_176 = arith.constant 32 : index
      %get3A_177 = tpu.vector_load %arg7[%get3A_175, %get3A_176] {strides = array<i32>} : memref<50x128xf32, #tpu.memory_space<vmem>>, vector<1x16xf32>,
      %get3A_178 = vector.shape_cast %get3A_177 : vector<1x16xf32> to vector<16xf32>
      %get3A_179 = arith.index_cast %add3A_150 : i32 to index
      %get3A_180 = arith.constant 48 : index
      %get3A_181 = tpu.vector_load %arg7[%get3A_179, %get3A_180] {strides = array<i32>} : memref<50x128xf32, #tpu.memory_space<vmem>>, vector<1x16xf32>,
      %get3A_182 = vector.shape_cast %get3A_181 : vector<1x16xf32> to vector<16xf32>
      %get3A_183 = arith.index_cast %add3A_150 : i32 to index
      %get3A_184 = arith.constant 64 : index
      %get3A_185 = tpu.vector_load %arg7[%get3A_183, %get3A_184] {strides = array<i32>} : memref<50x128xf32, #tpu.memory_space<vmem>>, vector<1x16xf32>,
      %get3A_186 = vector.shape_cast %get3A_185 : vector<1x16xf32> to vector<16xf32>
      %get3A_187 = arith.index_cast %add3A_150 : i32 to index
      %get3A_188 = arith.constant 80 : index
      %get3A_189 = tpu.vector_load %arg7[%get3A_187, %get3A_188] {strides = array<i32>} : memref<50x128xf32, #tpu.memory_space<vmem>>, vector<1x16xf32>,
      %get3A_190 = vector.shape_cast %get3A_189 : vector<1x16xf32> to vector<16xf32>
      %get3A_191 = arith.index_cast %add3A_150 : i32 to index
      %get3A_192 = arith.constant 96 : index
      %get3A_193 = tpu.vector_load %arg7[%get3A_191, %get3A_192] {strides = array<i32>} : memref<50x128xf32, #tpu.memory_space<vmem>>, vector<1x16xf32>,
      %get3A_194 = vector.shape_cast %get3A_193 : vector<1x16xf32> to vector<16xf32>
      %get3A_195 = arith.index_cast %add3A_150 : i32 to index
      %get3A_196 = arith.constant 112 : index
      %get3A_197 = tpu.vector_load %arg7[%get3A_195, %get3A_196] {strides = array<i32>} : memref<50x128xf32, #tpu.memory_space<vmem>>, vector<1x16xf32>,
      %get3A_198 = vector.shape_cast %get3A_197 : vector<1x16xf32> to vector<16xf32>
      %parallel_loop3A_199 = arith.constant 0 : i32
      %parallel_loop3A_200 = arith.constant 128 : i32
      %parallel_loop3A_201 = arith.constant 1 : i32
      scf.for %parallel_loop3A_403 = %parallel_loop3A_199 to %parallel_loop3A_200 step %parallel_loop3A_201  : i32 {
        %parallel_loop3A_404 = arith.index_cast %parallel_loop3A_403 : i32 to index
        %parallel_loop3A_405 = arith.constant 0 : index
        %parallel_loop3A_406 = tpu.vector_load %arg9[%parallel_loop3A_404, %parallel_loop3A_405] {strides = array<i32>} : memref<128x128xf32, #tpu.memory_space<vmem>>, vector<1x16xf32>,
        %parallel_loop3A_407 = vector.shape_cast %parallel_loop3A_406 : vector<1x16xf32> to vector<16xf32>
        %parallel_loop3A_408 = vector.broadcast %scan3A_32 : f32 to vector<16xf32>
        %parallel_loop3A_409 = arith.mulf %parallel_loop3A_407, %parallel_loop3A_408 : vector<16xf32>
        %parallel_loop3A_410 = arith.addf %parallel_loop3A_409, %get3A_170 : vector<16xf32>
        %parallel_loop3A_411 = arith.index_cast %parallel_loop3A_403 : i32 to index
        %parallel_loop3A_412 = arith.constant 0 : index
        %parallel_loop3A_413 = tpu.vector_load %arg9[%parallel_loop3A_411, %parallel_loop3A_412] {strides = array<i32>} : memref<128x128xf32, #tpu.memory_space<vmem>>, vector<1x16xf32>,
        %parallel_loop3A_414 = vector.shape_cast %parallel_loop3A_413 : vector<1x16xf32> to vector<16xf32>
        %parallel_loop3A_415 = vector.shape_cast %parallel_loop3A_410 : vector<16xf32> to vector<1x16xf32>
        tpu.vector_store %arg9[%parallel_loop3A_411, %parallel_loop3A_412], %parallel_loop3A_415 {strides = array<i32>} : memref<128x128xf32, #tpu.memory_space<vmem>>, vector<1x16xf32>,
        %parallel_loop3A_416 = arith.index_cast %parallel_loop3A_403 : i32 to index
        %parallel_loop3A_417 = arith.constant 16 : index
        %parallel_loop3A_418 = tpu.vector_load %arg9[%parallel_loop3A_416, %parallel_loop3A_417] {strides = array<i32>} : memref<128x128xf32, #tpu.memory_space<vmem>>, vector<1x16xf32>,
        %parallel_loop3A_419 = vector.shape_cast %parallel_loop3A_418 : vector<1x16xf32> to vector<16xf32>
        %parallel_loop3A_420 = vector.broadcast %scan3A_32 : f32 to vector<16xf32>
        %parallel_loop3A_421 = arith.mulf %parallel_loop3A_419, %parallel_loop3A_420 : vector<16xf32>
        %parallel_loop3A_422 = arith.addf %parallel_loop3A_421, %get3A_174 : vector<16xf32>
        %parallel_loop3A_423 = arith.index_cast %parallel_loop3A_403 : i32 to index
        %parallel_loop3A_424 = arith.constant 16 : index
        %parallel_loop3A_425 = tpu.vector_load %arg9[%parallel_loop3A_423, %parallel_loop3A_424] {strides = array<i32>} : memref<128x128xf32, #tpu.memory_space<vmem>>, vector<1x16xf32>,
        %parallel_loop3A_426 = vector.shape_cast %parallel_loop3A_425 : vector<1x16xf32> to vector<16xf32>
        %parallel_loop3A_427 = vector.shape_cast %parallel_loop3A_422 : vector<16xf32> to vector<1x16xf32>
        tpu.vector_store %arg9[%parallel_loop3A_423, %parallel_loop3A_424], %parallel_loop3A_427 {strides = array<i32>} : memref<128x128xf32, #tpu.memory_space<vmem>>, vector<1x16xf32>,
        %parallel_loop3A_428 = arith.index_cast %parallel_loop3A_403 : i32 to index
        %parallel_loop3A_429 = arith.constant 32 : index
        %parallel_loop3A_430 = tpu.vector_load %arg9[%parallel_loop3A_428, %parallel_loop3A_429] {strides = array<i32>} : memref<128x128xf32, #tpu.memory_space<vmem>>, vector<1x16xf32>,
        %parallel_loop3A_431 = vector.shape_cast %parallel_loop3A_430 : vector<1x16xf32> to vector<16xf32>
        %parallel_loop3A_432 = vector.broadcast %scan3A_32 : f32 to vector<16xf32>
        %parallel_loop3A_433 = arith.mulf %parallel_loop3A_431, %parallel_loop3A_432 : vector<16xf32>
        %parallel_loop3A_434 = arith.addf %parallel_loop3A_433, %get3A_178 : vector<16xf32>
        %parallel_loop3A_435 = arith.index_cast %parallel_loop3A_403 : i32 to index
        %parallel_loop3A_436 = arith.constant 32 : index
        %parallel_loop3A_437 = tpu.vector_load %arg9[%parallel_loop3A_435, %parallel_loop3A_436] {strides = array<i32>} : memref<128x128xf32, #tpu.memory_space<vmem>>, vector<1x16xf32>,
        %parallel_loop3A_438 = vector.shape_cast %parallel_loop3A_437 : vector<1x16xf32> to vector<16xf32>
        %parallel_loop3A_439 = vector.shape_cast %parallel_loop3A_434 : vector<16xf32> to vector<1x16xf32>
        tpu.vector_store %arg9[%parallel_loop3A_435, %parallel_loop3A_436], %parallel_loop3A_439 {strides = array<i32>} : memref<128x128xf32, #tpu.memory_space<vmem>>, vector<1x16xf32>,
        %parallel_loop3A_440 = arith.index_cast %parallel_loop3A_403 : i32 to index
        %parallel_loop3A_441 = arith.constant 48 : index
        %parallel_loop3A_442 = tpu.vector_load %arg9[%parallel_loop3A_440, %parallel_loop3A_441] {strides = array<i32>} : memref<128x128xf32, #tpu.memory_space<vmem>>, vector<1x16xf32>,
        %parallel_loop3A_443 = vector.shape_cast %parallel_loop3A_442 : vector<1x16xf32> to vector<16xf32>
        %parallel_loop3A_444 = vector.broadcast %scan3A_32 : f32 to vector<16xf32>
        %parallel_loop3A_445 = arith.mulf %parallel_loop3A_443, %parallel_loop3A_444 : vector<16xf32>
        %parallel_loop3A_446 = arith.addf %parallel_loop3A_445, %get3A_182 : vector<16xf32>
        %parallel_loop3A_447 = arith.index_cast %parallel_loop3A_403 : i32 to index
        %parallel_loop3A_448 = arith.constant 48 : index
        %parallel_loop3A_449 = tpu.vector_load %arg9[%parallel_loop3A_447, %parallel_loop3A_448] {strides = array<i32>} : memref<128x128xf32, #tpu.memory_space<vmem>>, vector<1x16xf32>,
        %parallel_loop3A_450 = vector.shape_cast %parallel_loop3A_449 : vector<1x16xf32> to vector<16xf32>
        %parallel_loop3A_451 = vector.shape_cast %parallel_loop3A_446 : vector<16xf32> to vector<1x16xf32>
        tpu.vector_store %arg9[%parallel_loop3A_447, %parallel_loop3A_448], %parallel_loop3A_451 {strides = array<i32>} : memref<128x128xf32, #tpu.memory_space<vmem>>, vector<1x16xf32>,
        %parallel_loop3A_452 = arith.index_cast %parallel_loop3A_403 : i32 to index
        %parallel_loop3A_453 = arith.constant 64 : index
        %parallel_loop3A_454 = tpu.vector_load %arg9[%parallel_loop3A_452, %parallel_loop3A_453] {strides = array<i32>} : memref<128x128xf32, #tpu.memory_space<vmem>>, vector<1x16xf32>,
        %parallel_loop3A_455 = vector.shape_cast %parallel_loop3A_454 : vector<1x16xf32> to vector<16xf32>
        %parallel_loop3A_456 = vector.broadcast %scan3A_32 : f32 to vector<16xf32>
        %parallel_loop3A_457 = arith.mulf %parallel_loop3A_455, %parallel_loop3A_456 : vector<16xf32>
        %parallel_loop3A_458 = arith.addf %parallel_loop3A_457, %get3A_186 : vector<16xf32>
        %parallel_loop3A_459 = arith.index_cast %parallel_loop3A_403 : i32 to index
        %parallel_loop3A_460 = arith.constant 64 : index
        %parallel_loop3A_461 = tpu.vector_load %arg9[%parallel_loop3A_459, %parallel_loop3A_460] {strides = array<i32>} : memref<128x128xf32, #tpu.memory_space<vmem>>, vector<1x16xf32>,
        %parallel_loop3A_462 = vector.shape_cast %parallel_loop3A_461 : vector<1x16xf32> to vector<16xf32>
        %parallel_loop3A_463 = vector.shape_cast %parallel_loop3A_458 : vector<16xf32> to vector<1x16xf32>
        tpu.vector_store %arg9[%parallel_loop3A_459, %parallel_loop3A_460], %parallel_loop3A_463 {strides = array<i32>} : memref<128x128xf32, #tpu.memory_space<vmem>>, vector<1x16xf32>,
        %parallel_loop3A_464 = arith.index_cast %parallel_loop3A_403 : i32 to index
        %parallel_loop3A_465 = arith.constant 80 : index
        %parallel_loop3A_466 = tpu.vector_load %arg9[%parallel_loop3A_464, %parallel_loop3A_465] {strides = array<i32>} : memref<128x128xf32, #tpu.memory_space<vmem>>, vector<1x16xf32>,
        %parallel_loop3A_467 = vector.shape_cast %parallel_loop3A_466 : vector<1x16xf32> to vector<16xf32>
        %parallel_loop3A_468 = vector.broadcast %scan3A_32 : f32 to vector<16xf32>
        %parallel_loop3A_469 = arith.mulf %parallel_loop3A_467, %parallel_loop3A_468 : vector<16xf32>
        %parallel_loop3A_470 = arith.addf %parallel_loop3A_469, %get3A_190 : vector<16xf32>
        %parallel_loop3A_471 = arith.index_cast %parallel_loop3A_403 : i32 to index
        %parallel_loop3A_472 = arith.constant 80 : index
        %parallel_loop3A_473 = tpu.vector_load %arg9[%parallel_loop3A_471, %parallel_loop3A_472] {strides = array<i32>} : memref<128x128xf32, #tpu.memory_space<vmem>>, vector<1x16xf32>,
        %parallel_loop3A_474 = vector.shape_cast %parallel_loop3A_473 : vector<1x16xf32> to vector<16xf32>
        %parallel_loop3A_475 = vector.shape_cast %parallel_loop3A_470 : vector<16xf32> to vector<1x16xf32>
        tpu.vector_store %arg9[%parallel_loop3A_471, %parallel_loop3A_472], %parallel_loop3A_475 {strides = array<i32>} : memref<128x128xf32, #tpu.memory_space<vmem>>, vector<1x16xf32>,
        %parallel_loop3A_476 = arith.index_cast %parallel_loop3A_403 : i32 to index
        %parallel_loop3A_477 = arith.constant 96 : index
        %parallel_loop3A_478 = tpu.vector_load %arg9[%parallel_loop3A_476, %parallel_loop3A_477] {strides = array<i32>} : memref<128x128xf32, #tpu.memory_space<vmem>>, vector<1x16xf32>,
        %parallel_loop3A_479 = vector.shape_cast %parallel_loop3A_478 : vector<1x16xf32> to vector<16xf32>
        %parallel_loop3A_480 = vector.broadcast %scan3A_32 : f32 to vector<16xf32>
        %parallel_loop3A_481 = arith.mulf %parallel_loop3A_479, %parallel_loop3A_480 : vector<16xf32>
        %parallel_loop3A_482 = arith.addf %parallel_loop3A_481, %get3A_194 : vector<16xf32>
        %parallel_loop3A_483 = arith.index_cast %parallel_loop3A_403 : i32 to index
        %parallel_loop3A_484 = arith.constant 96 : index
        %parallel_loop3A_485 = tpu.vector_load %arg9[%parallel_loop3A_483, %parallel_loop3A_484] {strides = array<i32>} : memref<128x128xf32, #tpu.memory_space<vmem>>, vector<1x16xf32>,
        %parallel_loop3A_486 = vector.shape_cast %parallel_loop3A_485 : vector<1x16xf32> to vector<16xf32>
        %parallel_loop3A_487 = vector.shape_cast %parallel_loop3A_482 : vector<16xf32> to vector<1x16xf32>
        tpu.vector_store %arg9[%parallel_loop3A_483, %parallel_loop3A_484], %parallel_loop3A_487 {strides = array<i32>} : memref<128x128xf32, #tpu.memory_space<vmem>>, vector<1x16xf32>,
        %parallel_loop3A_488 = arith.index_cast %parallel_loop3A_403 : i32 to index
        %parallel_loop3A_489 = arith.constant 112 : index
        %parallel_loop3A_490 = tpu.vector_load %arg9[%parallel_loop3A_488, %parallel_loop3A_489] {strides = array<i32>} : memref<128x128xf32, #tpu.memory_space<vmem>>, vector<1x16xf32>,
        %parallel_loop3A_491 = vector.shape_cast %parallel_loop3A_490 : vector<1x16xf32> to vector<16xf32>
        %parallel_loop3A_492 = vector.broadcast %scan3A_32 : f32 to vector<16xf32>
        %parallel_loop3A_493 = arith.mulf %parallel_loop3A_491, %parallel_loop3A_492 : vector<16xf32>
        %parallel_loop3A_494 = arith.addf %parallel_loop3A_493, %get3A_198 : vector<16xf32>
        %parallel_loop3A_495 = arith.index_cast %parallel_loop3A_403 : i32 to index
        %parallel_loop3A_496 = arith.constant 112 : index
        %parallel_loop3A_497 = tpu.vector_load %arg9[%parallel_loop3A_495, %parallel_loop3A_496] {strides = array<i32>} : memref<128x128xf32, #tpu.memory_space<vmem>>, vector<1x16xf32>,
        %parallel_loop3A_498 = vector.shape_cast %parallel_loop3A_497 : vector<1x16xf32> to vector<16xf32>
        %parallel_loop3A_499 = vector.shape_cast %parallel_loop3A_494 : vector<16xf32> to vector<1x16xf32>
        tpu.vector_store %arg9[%parallel_loop3A_495, %parallel_loop3A_496], %parallel_loop3A_499 {strides = array<i32>} : memref<128x128xf32, #tpu.memory_space<vmem>>, vector<1x16xf32>,
      } {sc.loop_unroll_factor = 2 : i64, sc.parallel_access}
      %dma_start3A_202 = arith.constant 1 : i32
      %dma_start3A_203 = arith.constant 0 : i32
      %dma_start3A_204 = tpu.memref_slice %arg5[%add3A_150, %mul3A_2, %dma_start3A_203] : memref<50x4096x128xf32, #tpu.memory_space<hbm>> -> memref<1x128x128xf32, #tpu.memory_space<hbm>>
      %dma_start3A_205 = tpu.memref_squeeze %dma_start3A_204 : memref<1x128x128xf32, #tpu.memory_space<hbm>> -> memref<128x128xf32, #tpu.memory_space<hbm>>
      %dma_start3A_206 = tpu.memref_slice %arg14[%dma_start3A_202] : memref<5x!tpu.dma_semaphore, #tpu.memory_space<semaphore_mem>> -> memref<1x!tpu.dma_semaphore, #tpu.memory_space<semaphore_mem>>
      %dma_start3A_207 = tpu.memref_squeeze %dma_start3A_206 : memref<1x!tpu.dma_semaphore, #tpu.memory_space<semaphore_mem>> -> memref<!tpu.dma_semaphore, #tpu.memory_space<semaphore_mem>>
      %dma_start3A_208 = arith.constant 0 : i32
      %dma_start3A_209 = tpu.memref_slice %arg5[%add3A_150, %mul3A_2, %dma_start3A_208] : memref<50x4096x128xf32, #tpu.memory_space<hbm>> -> memref<1x128x128xf32, #tpu.memory_space<hbm>>
      %dma_start3A_210 = tpu.memref_squeeze %dma_start3A_209 : memref<1x128x128xf32, #tpu.memory_space<hbm>> -> memref<128x128xf32, #tpu.memory_space<hbm>>
      tpu.enqueue_dma source(%arg9 : memref<128x128xf32, #tpu.memory_space<vmem>>) target(%dma_start3A_210 : memref<128x128xf32, #tpu.memory_space<hbm>>) target_semaphore(%dma_start3A_207 : memref<!tpu.dma_semaphore, #tpu.memory_space<semaphore_mem>>)
      %mul3A_211 = arith.constant 5 : i32
      %mul3A_212 = arith.muli %scan3A_87, %mul3A_211 : i32
      %add3A_213 = arith.constant 2 : i32
      %add3A_214 = arith.addi %mul3A_212, %add3A_213 : i32
      %add3A_215 = arith.constant 3 : i32
      %add3A_216 = arith.addi %add3A_214, %add3A_215 : i32
      %lt3A_217 = arith.constant 50 : i32
      %lt3A_218 = arith.cmpi slt, %add3A_216, %lt3A_217 : i32
      %convert_element_type3A_219 = arith.extui %lt3A_218 : i1 to i32
      %cond3A_220 = arith.constant 0 : i32
      %cond3A_221 = arith.cmpi ne, %convert_element_type3A_219, %cond3A_220 : i32
      scf.if %cond3A_221 {
        %ge3A = arith.constant 2 : i32
        %ge3A_403 = arith.cmpi sge, %add3A_214, %ge3A : i32
        %convert_element_type3A_404 = arith.extui %ge3A_403 : i1 to i32
        %cond3A_405 = arith.constant 0 : i32
        %cond3A_406 = arith.cmpi ne, %convert_element_type3A_404, %cond3A_405 : i32
        scf.if %cond3A_406 {
          %sub3A = arith.constant 2 : i32
          %sub3A_418 = arith.subi %add3A_214, %sub3A : i32
          %dma_wait3A_419 = arith.constant 0 : i32
          %dma_wait3A_420 = arith.constant 0 : i32
          %dma_wait3A_421 = tpu.memref_slice %arg5[%sub3A_418, %mul3A_2, %dma_wait3A_420] : memref<50x4096x128xf32, #tpu.memory_space<hbm>> -> memref<1x128x128xf32, #tpu.memory_space<hbm>>
          %dma_wait3A_422 = tpu.memref_squeeze %dma_wait3A_421 : memref<1x128x128xf32, #tpu.memory_space<hbm>> -> memref<128x128xf32, #tpu.memory_space<hbm>>
          %dma_wait3A_423 = tpu.memref_slice %arg14[%dma_wait3A_419] : memref<5x!tpu.dma_semaphore, #tpu.memory_space<semaphore_mem>> -> memref<1x!tpu.dma_semaphore, #tpu.memory_space<semaphore_mem>>
          %dma_wait3A_424 = tpu.memref_squeeze %dma_wait3A_423 : memref<1x!tpu.dma_semaphore, #tpu.memory_space<semaphore_mem>> -> memref<!tpu.dma_semaphore, #tpu.memory_space<semaphore_mem>>
          %dma_wait3A_425 = arith.constant 0 : i32
          %dma_wait3A_426 = tpu.memref_slice %arg5[%sub3A_418, %mul3A_2, %dma_wait3A_425] : memref<50x4096x128xf32, #tpu.memory_space<hbm>> -> memref<1x128x128xf32, #tpu.memory_space<hbm>>
          %dma_wait3A_427 = tpu.memref_squeeze %dma_wait3A_426 : memref<1x128x128xf32, #tpu.memory_space<hbm>> -> memref<128x128xf32, #tpu.memory_space<hbm>>
          tpu.wait_dma2 semaphore(%dma_wait3A_424 : memref<!tpu.dma_semaphore, #tpu.memory_space<semaphore_mem>>) src(%arg8 : memref<128x128xf32, #tpu.memory_space<vmem>>) dst(%dma_wait3A_427 : memref<128x128xf32, #tpu.memory_space<hbm>>)
        } else {
        }
        %add3A_407 = arith.constant 3 : i32
        %add3A_408 = arith.addi %add3A_214, %add3A_407 : i32
        %dma_start3A_409 = arith.constant 0 : i32
        %dma_start3A_410 = arith.constant 0 : i32
        %dma_start3A_411 = tpu.memref_slice %arg6[%add3A_408, %dma_start3A_410] : memref<50x128xi32, #tpu.memory_space<vmem>> -> memref<1x128xi32, #tpu.memory_space<vmem>>
        %dma_start3A_412 = tpu.memref_squeeze %dma_start3A_411 : memref<1x128xi32, #tpu.memory_space<vmem>> -> memref<128xi32, #tpu.memory_space<vmem>>
        %dma_start3A_413 = arith.constant 0 : i32
        %dma_start3A_414 = arith.constant 0 : i32
        %dma_start3A_415 = tpu.memref_slice %arg3[%dma_start3A_413, %dma_start3A_414] : memref<100000x128xf32, #tpu.memory_space<hbm>> -> memref<100000x128xf32, #tpu.memory_space<hbm>>
        %dma_start3A_416 = tpu.memref_slice %arg13[%dma_start3A_409] : memref<5x!tpu.dma_semaphore, #tpu.memory_space<semaphore_mem>> -> memref<1x!tpu.dma_semaphore, #tpu.memory_space<semaphore_mem>>
        %dma_start3A_417 = tpu.memref_squeeze %dma_start3A_416 : memref<1x!tpu.dma_semaphore, #tpu.memory_space<semaphore_mem>> -> memref<!tpu.dma_semaphore, #tpu.memory_space<semaphore_mem>>
        tpu.enqueue_indirect_dma source(%dma_start3A_415 : memref<100000x128xf32, #tpu.memory_space<hbm>>) target(%arg8 : memref<128x128xf32, #tpu.memory_space<vmem>>) offsets(%dma_start3A_412 : memref<128xi32, #tpu.memory_space<vmem>>) semaphore(%dma_start3A_417 : memref<!tpu.dma_semaphore, #tpu.memory_space<semaphore_mem>>)
      } else {
      }
      %dma_wait3A_222 = arith.constant 2 : i32
      %dma_wait3A_223 = arith.constant 0 : i32
      %dma_wait3A_224 = tpu.memref_slice %arg6[%add3A_214, %dma_wait3A_223] : memref<50x128xi32, #tpu.memory_space<vmem>> -> memref<1x128xi32, #tpu.memory_space<vmem>>
      %dma_wait3A_225 = tpu.memref_squeeze %dma_wait3A_224 : memref<1x128xi32, #tpu.memory_space<vmem>> -> memref<128xi32, #tpu.memory_space<vmem>>
      %dma_wait3A_226 = arith.constant 0 : i32
      %dma_wait3A_227 = arith.constant 0 : i32
      %dma_wait3A_228 = tpu.memref_slice %arg3[%dma_wait3A_226, %dma_wait3A_227] : memref<100000x128xf32, #tpu.memory_space<hbm>> -> memref<100000x128xf32, #tpu.memory_space<hbm>>
      %dma_wait3A_229 = tpu.memref_slice %arg13[%dma_wait3A_222] : memref<5x!tpu.dma_semaphore, #tpu.memory_space<semaphore_mem>> -> memref<1x!tpu.dma_semaphore, #tpu.memory_space<semaphore_mem>>
      %dma_wait3A_230 = tpu.memref_squeeze %dma_wait3A_229 : memref<1x!tpu.dma_semaphore, #tpu.memory_space<semaphore_mem>> -> memref<!tpu.dma_semaphore, #tpu.memory_space<semaphore_mem>>
      tpu.wait_indirect_dma semaphore(%dma_wait3A_230 : memref<!tpu.dma_semaphore, #tpu.memory_space<semaphore_mem>>) src(%dma_wait3A_228 : memref<100000x128xf32, #tpu.memory_space<hbm>>) dst(%arg10 : memref<128x128xf32, #tpu.memory_space<vmem>>)
      %get3A_231 = arith.index_cast %add3A_214 : i32 to index
      %get3A_232 = arith.constant 0 : index
      %get3A_233 = tpu.vector_load %arg7[%get3A_231, %get3A_232] {strides = array<i32>} : memref<50x128xf32, #tpu.memory_space<vmem>>, vector<1x16xf32>,
      %get3A_234 = vector.shape_cast %get3A_233 : vector<1x16xf32> to vector<16xf32>
      %get3A_235 = arith.index_cast %add3A_214 : i32 to index
      %get3A_236 = arith.constant 16 : index
      %get3A_237 = tpu.vector_load %arg7[%get3A_235, %get3A_236] {strides = array<i32>} : memref<50x128xf32, #tpu.memory_space<vmem>>, vector<1x16xf32>,
      %get3A_238 = vector.shape_cast %get3A_237 : vector<1x16xf32> to vector<16xf32>
      %get3A_239 = arith.index_cast %add3A_214 : i32 to index
      %get3A_240 = arith.constant 32 : index
      %get3A_241 = tpu.vector_load %arg7[%get3A_239, %get3A_240] {strides = array<i32>} : memref<50x128xf32, #tpu.memory_space<vmem>>, vector<1x16xf32>,
      %get3A_242 = vector.shape_cast %get3A_241 : vector<1x16xf32> to vector<16xf32>
      %get3A_243 = arith.index_cast %add3A_214 : i32 to index
      %get3A_244 = arith.constant 48 : index
      %get3A_245 = tpu.vector_load %arg7[%get3A_243, %get3A_244] {strides = array<i32>} : memref<50x128xf32, #tpu.memory_space<vmem>>, vector<1x16xf32>,
      %get3A_246 = vector.shape_cast %get3A_245 : vector<1x16xf32> to vector<16xf32>
      %get3A_247 = arith.index_cast %add3A_214 : i32 to index
      %get3A_248 = arith.constant 64 : index
      %get3A_249 = tpu.vector_load %arg7[%get3A_247, %get3A_248] {strides = array<i32>} : memref<50x128xf32, #tpu.memory_space<vmem>>, vector<1x16xf32>,
      %get3A_250 = vector.shape_cast %get3A_249 : vector<1x16xf32> to vector<16xf32>
      %get3A_251 = arith.index_cast %add3A_214 : i32 to index
      %get3A_252 = arith.constant 80 : index
      %get3A_253 = tpu.vector_load %arg7[%get3A_251, %get3A_252] {strides = array<i32>} : memref<50x128xf32, #tpu.memory_space<vmem>>, vector<1x16xf32>,
      %get3A_254 = vector.shape_cast %get3A_253 : vector<1x16xf32> to vector<16xf32>
      %get3A_255 = arith.index_cast %add3A_214 : i32 to index
      %get3A_256 = arith.constant 96 : index
      %get3A_257 = tpu.vector_load %arg7[%get3A_255, %get3A_256] {strides = array<i32>} : memref<50x128xf32, #tpu.memory_space<vmem>>, vector<1x16xf32>,
      %get3A_258 = vector.shape_cast %get3A_257 : vector<1x16xf32> to vector<16xf32>
      %get3A_259 = arith.index_cast %add3A_214 : i32 to index
      %get3A_260 = arith.constant 112 : index
      %get3A_261 = tpu.vector_load %arg7[%get3A_259, %get3A_260] {strides = array<i32>} : memref<50x128xf32, #tpu.memory_space<vmem>>, vector<1x16xf32>,
      %get3A_262 = vector.shape_cast %get3A_261 : vector<1x16xf32> to vector<16xf32>
      %parallel_loop3A_263 = arith.constant 0 : i32
      %parallel_loop3A_264 = arith.constant 128 : i32
      %parallel_loop3A_265 = arith.constant 1 : i32
      scf.for %parallel_loop3A_403 = %parallel_loop3A_263 to %parallel_loop3A_264 step %parallel_loop3A_265  : i32 {
        %parallel_loop3A_404 = arith.index_cast %parallel_loop3A_403 : i32 to index
        %parallel_loop3A_405 = arith.constant 0 : index
        %parallel_loop3A_406 = tpu.vector_load %arg10[%parallel_loop3A_404, %parallel_loop3A_405] {strides = array<i32>} : memref<128x128xf32, #tpu.memory_space<vmem>>, vector<1x16xf32>,
        %parallel_loop3A_407 = vector.shape_cast %parallel_loop3A_406 : vector<1x16xf32> to vector<16xf32>
        %parallel_loop3A_408 = vector.broadcast %scan3A_32 : f32 to vector<16xf32>
        %parallel_loop3A_409 = arith.mulf %parallel_loop3A_407, %parallel_loop3A_408 : vector<16xf32>
        %parallel_loop3A_410 = arith.addf %parallel_loop3A_409, %get3A_234 : vector<16xf32>
        %parallel_loop3A_411 = arith.index_cast %parallel_loop3A_403 : i32 to index
        %parallel_loop3A_412 = arith.constant 0 : index
        %parallel_loop3A_413 = tpu.vector_load %arg10[%parallel_loop3A_411, %parallel_loop3A_412] {strides = array<i32>} : memref<128x128xf32, #tpu.memory_space<vmem>>, vector<1x16xf32>,
        %parallel_loop3A_414 = vector.shape_cast %parallel_loop3A_413 : vector<1x16xf32> to vector<16xf32>
        %parallel_loop3A_415 = vector.shape_cast %parallel_loop3A_410 : vector<16xf32> to vector<1x16xf32>
        tpu.vector_store %arg10[%parallel_loop3A_411, %parallel_loop3A_412], %parallel_loop3A_415 {strides = array<i32>} : memref<128x128xf32, #tpu.memory_space<vmem>>, vector<1x16xf32>,
        %parallel_loop3A_416 = arith.index_cast %parallel_loop3A_403 : i32 to index
        %parallel_loop3A_417 = arith.constant 16 : index
        %parallel_loop3A_418 = tpu.vector_load %arg10[%parallel_loop3A_416, %parallel_loop3A_417] {strides = array<i32>} : memref<128x128xf32, #tpu.memory_space<vmem>>, vector<1x16xf32>,
        %parallel_loop3A_419 = vector.shape_cast %parallel_loop3A_418 : vector<1x16xf32> to vector<16xf32>
        %parallel_loop3A_420 = vector.broadcast %scan3A_32 : f32 to vector<16xf32>
        %parallel_loop3A_421 = arith.mulf %parallel_loop3A_419, %parallel_loop3A_420 : vector<16xf32>
        %parallel_loop3A_422 = arith.addf %parallel_loop3A_421, %get3A_238 : vector<16xf32>
        %parallel_loop3A_423 = arith.index_cast %parallel_loop3A_403 : i32 to index
        %parallel_loop3A_424 = arith.constant 16 : index
        %parallel_loop3A_425 = tpu.vector_load %arg10[%parallel_loop3A_423, %parallel_loop3A_424] {strides = array<i32>} : memref<128x128xf32, #tpu.memory_space<vmem>>, vector<1x16xf32>,
        %parallel_loop3A_426 = vector.shape_cast %parallel_loop3A_425 : vector<1x16xf32> to vector<16xf32>
        %parallel_loop3A_427 = vector.shape_cast %parallel_loop3A_422 : vector<16xf32> to vector<1x16xf32>
        tpu.vector_store %arg10[%parallel_loop3A_423, %parallel_loop3A_424], %parallel_loop3A_427 {strides = array<i32>} : memref<128x128xf32, #tpu.memory_space<vmem>>, vector<1x16xf32>,
        %parallel_loop3A_428 = arith.index_cast %parallel_loop3A_403 : i32 to index
        %parallel_loop3A_429 = arith.constant 32 : index
        %parallel_loop3A_430 = tpu.vector_load %arg10[%parallel_loop3A_428, %parallel_loop3A_429] {strides = array<i32>} : memref<128x128xf32, #tpu.memory_space<vmem>>, vector<1x16xf32>,
        %parallel_loop3A_431 = vector.shape_cast %parallel_loop3A_430 : vector<1x16xf32> to vector<16xf32>
        %parallel_loop3A_432 = vector.broadcast %scan3A_32 : f32 to vector<16xf32>
        %parallel_loop3A_433 = arith.mulf %parallel_loop3A_431, %parallel_loop3A_432 : vector<16xf32>
        %parallel_loop3A_434 = arith.addf %parallel_loop3A_433, %get3A_242 : vector<16xf32>
        %parallel_loop3A_435 = arith.index_cast %parallel_loop3A_403 : i32 to index
        %parallel_loop3A_436 = arith.constant 32 : index
        %parallel_loop3A_437 = tpu.vector_load %arg10[%parallel_loop3A_435, %parallel_loop3A_436] {strides = array<i32>} : memref<128x128xf32, #tpu.memory_space<vmem>>, vector<1x16xf32>,
        %parallel_loop3A_438 = vector.shape_cast %parallel_loop3A_437 : vector<1x16xf32> to vector<16xf32>
        %parallel_loop3A_439 = vector.shape_cast %parallel_loop3A_434 : vector<16xf32> to vector<1x16xf32>
        tpu.vector_store %arg10[%parallel_loop3A_435, %parallel_loop3A_436], %parallel_loop3A_439 {strides = array<i32>} : memref<128x128xf32, #tpu.memory_space<vmem>>, vector<1x16xf32>,
        %parallel_loop3A_440 = arith.index_cast %parallel_loop3A_403 : i32 to index
        %parallel_loop3A_441 = arith.constant 48 : index
        %parallel_loop3A_442 = tpu.vector_load %arg10[%parallel_loop3A_440, %parallel_loop3A_441] {strides = array<i32>} : memref<128x128xf32, #tpu.memory_space<vmem>>, vector<1x16xf32>,
        %parallel_loop3A_443 = vector.shape_cast %parallel_loop3A_442 : vector<1x16xf32> to vector<16xf32>
        %parallel_loop3A_444 = vector.broadcast %scan3A_32 : f32 to vector<16xf32>
        %parallel_loop3A_445 = arith.mulf %parallel_loop3A_443, %parallel_loop3A_444 : vector<16xf32>
        %parallel_loop3A_446 = arith.addf %parallel_loop3A_445, %get3A_246 : vector<16xf32>
        %parallel_loop3A_447 = arith.index_cast %parallel_loop3A_403 : i32 to index
        %parallel_loop3A_448 = arith.constant 48 : index
        %parallel_loop3A_449 = tpu.vector_load %arg10[%parallel_loop3A_447, %parallel_loop3A_448] {strides = array<i32>} : memref<128x128xf32, #tpu.memory_space<vmem>>, vector<1x16xf32>,
        %parallel_loop3A_450 = vector.shape_cast %parallel_loop3A_449 : vector<1x16xf32> to vector<16xf32>
        %parallel_loop3A_451 = vector.shape_cast %parallel_loop3A_446 : vector<16xf32> to vector<1x16xf32>
        tpu.vector_store %arg10[%parallel_loop3A_447, %parallel_loop3A_448], %parallel_loop3A_451 {strides = array<i32>} : memref<128x128xf32, #tpu.memory_space<vmem>>, vector<1x16xf32>,
        %parallel_loop3A_452 = arith.index_cast %parallel_loop3A_403 : i32 to index
        %parallel_loop3A_453 = arith.constant 64 : index
        %parallel_loop3A_454 = tpu.vector_load %arg10[%parallel_loop3A_452, %parallel_loop3A_453] {strides = array<i32>} : memref<128x128xf32, #tpu.memory_space<vmem>>, vector<1x16xf32>,
        %parallel_loop3A_455 = vector.shape_cast %parallel_loop3A_454 : vector<1x16xf32> to vector<16xf32>
        %parallel_loop3A_456 = vector.broadcast %scan3A_32 : f32 to vector<16xf32>
        %parallel_loop3A_457 = arith.mulf %parallel_loop3A_455, %parallel_loop3A_456 : vector<16xf32>
        %parallel_loop3A_458 = arith.addf %parallel_loop3A_457, %get3A_250 : vector<16xf32>
        %parallel_loop3A_459 = arith.index_cast %parallel_loop3A_403 : i32 to index
        %parallel_loop3A_460 = arith.constant 64 : index
        %parallel_loop3A_461 = tpu.vector_load %arg10[%parallel_loop3A_459, %parallel_loop3A_460] {strides = array<i32>} : memref<128x128xf32, #tpu.memory_space<vmem>>, vector<1x16xf32>,
        %parallel_loop3A_462 = vector.shape_cast %parallel_loop3A_461 : vector<1x16xf32> to vector<16xf32>
        %parallel_loop3A_463 = vector.shape_cast %parallel_loop3A_458 : vector<16xf32> to vector<1x16xf32>
        tpu.vector_store %arg10[%parallel_loop3A_459, %parallel_loop3A_460], %parallel_loop3A_463 {strides = array<i32>} : memref<128x128xf32, #tpu.memory_space<vmem>>, vector<1x16xf32>,
        %parallel_loop3A_464 = arith.index_cast %parallel_loop3A_403 : i32 to index
        %parallel_loop3A_465 = arith.constant 80 : index
        %parallel_loop3A_466 = tpu.vector_load %arg10[%parallel_loop3A_464, %parallel_loop3A_465] {strides = array<i32>} : memref<128x128xf32, #tpu.memory_space<vmem>>, vector<1x16xf32>,
        %parallel_loop3A_467 = vector.shape_cast %parallel_loop3A_466 : vector<1x16xf32> to vector<16xf32>
        %parallel_loop3A_468 = vector.broadcast %scan3A_32 : f32 to vector<16xf32>
        %parallel_loop3A_469 = arith.mulf %parallel_loop3A_467, %parallel_loop3A_468 : vector<16xf32>
        %parallel_loop3A_470 = arith.addf %parallel_loop3A_469, %get3A_254 : vector<16xf32>
        %parallel_loop3A_471 = arith.index_cast %parallel_loop3A_403 : i32 to index
        %parallel_loop3A_472 = arith.constant 80 : index
        %parallel_loop3A_473 = tpu.vector_load %arg10[%parallel_loop3A_471, %parallel_loop3A_472] {strides = array<i32>} : memref<128x128xf32, #tpu.memory_space<vmem>>, vector<1x16xf32>,
        %parallel_loop3A_474 = vector.shape_cast %parallel_loop3A_473 : vector<1x16xf32> to vector<16xf32>
        %parallel_loop3A_475 = vector.shape_cast %parallel_loop3A_470 : vector<16xf32> to vector<1x16xf32>
        tpu.vector_store %arg10[%parallel_loop3A_471, %parallel_loop3A_472], %parallel_loop3A_475 {strides = array<i32>} : memref<128x128xf32, #tpu.memory_space<vmem>>, vector<1x16xf32>,
        %parallel_loop3A_476 = arith.index_cast %parallel_loop3A_403 : i32 to index
        %parallel_loop3A_477 = arith.constant 96 : index
        %parallel_loop3A_478 = tpu.vector_load %arg10[%parallel_loop3A_476, %parallel_loop3A_477] {strides = array<i32>} : memref<128x128xf32, #tpu.memory_space<vmem>>, vector<1x16xf32>,
        %parallel_loop3A_479 = vector.shape_cast %parallel_loop3A_478 : vector<1x16xf32> to vector<16xf32>
        %parallel_loop3A_480 = vector.broadcast %scan3A_32 : f32 to vector<16xf32>
        %parallel_loop3A_481 = arith.mulf %parallel_loop3A_479, %parallel_loop3A_480 : vector<16xf32>
        %parallel_loop3A_482 = arith.addf %parallel_loop3A_481, %get3A_258 : vector<16xf32>
        %parallel_loop3A_483 = arith.index_cast %parallel_loop3A_403 : i32 to index
        %parallel_loop3A_484 = arith.constant 96 : index
        %parallel_loop3A_485 = tpu.vector_load %arg10[%parallel_loop3A_483, %parallel_loop3A_484] {strides = array<i32>} : memref<128x128xf32, #tpu.memory_space<vmem>>, vector<1x16xf32>,
        %parallel_loop3A_486 = vector.shape_cast %parallel_loop3A_485 : vector<1x16xf32> to vector<16xf32>
        %parallel_loop3A_487 = vector.shape_cast %parallel_loop3A_482 : vector<16xf32> to vector<1x16xf32>
        tpu.vector_store %arg10[%parallel_loop3A_483, %parallel_loop3A_484], %parallel_loop3A_487 {strides = array<i32>} : memref<128x128xf32, #tpu.memory_space<vmem>>, vector<1x16xf32>,
        %parallel_loop3A_488 = arith.index_cast %parallel_loop3A_403 : i32 to index
        %parallel_loop3A_489 = arith.constant 112 : index
        %parallel_loop3A_490 = tpu.vector_load %arg10[%parallel_loop3A_488, %parallel_loop3A_489] {strides = array<i32>} : memref<128x128xf32, #tpu.memory_space<vmem>>, vector<1x16xf32>,
        %parallel_loop3A_491 = vector.shape_cast %parallel_loop3A_490 : vector<1x16xf32> to vector<16xf32>
        %parallel_loop3A_492 = vector.broadcast %scan3A_32 : f32 to vector<16xf32>
        %parallel_loop3A_493 = arith.mulf %parallel_loop3A_491, %parallel_loop3A_492 : vector<16xf32>
        %parallel_loop3A_494 = arith.addf %parallel_loop3A_493, %get3A_262 : vector<16xf32>
        %parallel_loop3A_495 = arith.index_cast %parallel_loop3A_403 : i32 to index
        %parallel_loop3A_496 = arith.constant 112 : index
        %parallel_loop3A_497 = tpu.vector_load %arg10[%parallel_loop3A_495, %parallel_loop3A_496] {strides = array<i32>} : memref<128x128xf32, #tpu.memory_space<vmem>>, vector<1x16xf32>,
        %parallel_loop3A_498 = vector.shape_cast %parallel_loop3A_497 : vector<1x16xf32> to vector<16xf32>
        %parallel_loop3A_499 = vector.shape_cast %parallel_loop3A_494 : vector<16xf32> to vector<1x16xf32>
        tpu.vector_store %arg10[%parallel_loop3A_495, %parallel_loop3A_496], %parallel_loop3A_499 {strides = array<i32>} : memref<128x128xf32, #tpu.memory_space<vmem>>, vector<1x16xf32>,
      } {sc.loop_unroll_factor = 2 : i64, sc.parallel_access}
      %dma_start3A_266 = arith.constant 2 : i32
      %dma_start3A_267 = arith.constant 0 : i32
      %dma_start3A_268 = tpu.memref_slice %arg5[%add3A_214, %mul3A_2, %dma_start3A_267] : memref<50x4096x128xf32, #tpu.memory_space<hbm>> -> memref<1x128x128xf32, #tpu.memory_space<hbm>>
      %dma_start3A_269 = tpu.memref_squeeze %dma_start3A_268 : memref<1x128x128xf32, #tpu.memory_space<hbm>> -> memref<128x128xf32, #tpu.memory_space<hbm>>
      %dma_start3A_270 = tpu.memref_slice %arg14[%dma_start3A_266] : memref<5x!tpu.dma_semaphore, #tpu.memory_space<semaphore_mem>> -> memref<1x!tpu.dma_semaphore, #tpu.memory_space<semaphore_mem>>
      %dma_start3A_271 = tpu.memref_squeeze %dma_start3A_270 : memref<1x!tpu.dma_semaphore, #tpu.memory_space<semaphore_mem>> -> memref<!tpu.dma_semaphore, #tpu.memory_space<semaphore_mem>>
      %dma_start3A_272 = arith.constant 0 : i32
      %dma_start3A_273 = tpu.memref_slice %arg5[%add3A_214, %mul3A_2, %dma_start3A_272] : memref<50x4096x128xf32, #tpu.memory_space<hbm>> -> memref<1x128x128xf32, #tpu.memory_space<hbm>>
      %dma_start3A_274 = tpu.memref_squeeze %dma_start3A_273 : memref<1x128x128xf32, #tpu.memory_space<hbm>> -> memref<128x128xf32, #tpu.memory_space<hbm>>
      tpu.enqueue_dma source(%arg10 : memref<128x128xf32, #tpu.memory_space<vmem>>) target(%dma_start3A_274 : memref<128x128xf32, #tpu.memory_space<hbm>>) target_semaphore(%dma_start3A_271 : memref<!tpu.dma_semaphore, #tpu.memory_space<semaphore_mem>>)
      %mul3A_275 = arith.constant 5 : i32
      %mul3A_276 = arith.muli %scan3A_87, %mul3A_275 : i32
      %add3A_277 = arith.constant 3 : i32
      %add3A_278 = arith.addi %mul3A_276, %add3A_277 : i32
      %add3A_279 = arith.constant 3 : i32
      %add3A_280 = arith.addi %add3A_278, %add3A_279 : i32
      %lt3A_281 = arith.constant 50 : i32
      %lt3A_282 = arith.cmpi slt, %add3A_280, %lt3A_281 : i32
      %convert_element_type3A_283 = arith.extui %lt3A_282 : i1 to i32
      %cond3A_284 = arith.constant 0 : i32
      %cond3A_285 = arith.cmpi ne, %convert_element_type3A_283, %cond3A_284 : i32
      scf.if %cond3A_285 {
        %ge3A = arith.constant 2 : i32
        %ge3A_403 = arith.cmpi sge, %add3A_278, %ge3A : i32
        %convert_element_type3A_404 = arith.extui %ge3A_403 : i1 to i32
        %cond3A_405 = arith.constant 0 : i32
        %cond3A_406 = arith.cmpi ne, %convert_element_type3A_404, %cond3A_405 : i32
        scf.if %cond3A_406 {
          %sub3A = arith.constant 2 : i32
          %sub3A_418 = arith.subi %add3A_278, %sub3A : i32
          %dma_wait3A_419 = arith.constant 1 : i32
          %dma_wait3A_420 = arith.constant 0 : i32
          %dma_wait3A_421 = tpu.memref_slice %arg5[%sub3A_418, %mul3A_2, %dma_wait3A_420] : memref<50x4096x128xf32, #tpu.memory_space<hbm>> -> memref<1x128x128xf32, #tpu.memory_space<hbm>>
          %dma_wait3A_422 = tpu.memref_squeeze %dma_wait3A_421 : memref<1x128x128xf32, #tpu.memory_space<hbm>> -> memref<128x128xf32, #tpu.memory_space<hbm>>
          %dma_wait3A_423 = tpu.memref_slice %arg14[%dma_wait3A_419] : memref<5x!tpu.dma_semaphore, #tpu.memory_space<semaphore_mem>> -> memref<1x!tpu.dma_semaphore, #tpu.memory_space<semaphore_mem>>
          %dma_wait3A_424 = tpu.memref_squeeze %dma_wait3A_423 : memref<1x!tpu.dma_semaphore, #tpu.memory_space<semaphore_mem>> -> memref<!tpu.dma_semaphore, #tpu.memory_space<semaphore_mem>>
          %dma_wait3A_425 = arith.constant 0 : i32
          %dma_wait3A_426 = tpu.memref_slice %arg5[%sub3A_418, %mul3A_2, %dma_wait3A_425] : memref<50x4096x128xf32, #tpu.memory_space<hbm>> -> memref<1x128x128xf32, #tpu.memory_space<hbm>>
          %dma_wait3A_427 = tpu.memref_squeeze %dma_wait3A_426 : memref<1x128x128xf32, #tpu.memory_space<hbm>> -> memref<128x128xf32, #tpu.memory_space<hbm>>
          tpu.wait_dma2 semaphore(%dma_wait3A_424 : memref<!tpu.dma_semaphore, #tpu.memory_space<semaphore_mem>>) src(%arg9 : memref<128x128xf32, #tpu.memory_space<vmem>>) dst(%dma_wait3A_427 : memref<128x128xf32, #tpu.memory_space<hbm>>)
        } else {
        }
        %add3A_407 = arith.constant 3 : i32
        %add3A_408 = arith.addi %add3A_278, %add3A_407 : i32
        %dma_start3A_409 = arith.constant 1 : i32
        %dma_start3A_410 = arith.constant 0 : i32
        %dma_start3A_411 = tpu.memref_slice %arg6[%add3A_408, %dma_start3A_410] : memref<50x128xi32, #tpu.memory_space<vmem>> -> memref<1x128xi32, #tpu.memory_space<vmem>>
        %dma_start3A_412 = tpu.memref_squeeze %dma_start3A_411 : memref<1x128xi32, #tpu.memory_space<vmem>> -> memref<128xi32, #tpu.memory_space<vmem>>
        %dma_start3A_413 = arith.constant 0 : i32
        %dma_start3A_414 = arith.constant 0 : i32
        %dma_start3A_415 = tpu.memref_slice %arg3[%dma_start3A_413, %dma_start3A_414] : memref<100000x128xf32, #tpu.memory_space<hbm>> -> memref<100000x128xf32, #tpu.memory_space<hbm>>
        %dma_start3A_416 = tpu.memref_slice %arg13[%dma_start3A_409] : memref<5x!tpu.dma_semaphore, #tpu.memory_space<semaphore_mem>> -> memref<1x!tpu.dma_semaphore, #tpu.memory_space<semaphore_mem>>
        %dma_start3A_417 = tpu.memref_squeeze %dma_start3A_416 : memref<1x!tpu.dma_semaphore, #tpu.memory_space<semaphore_mem>> -> memref<!tpu.dma_semaphore, #tpu.memory_space<semaphore_mem>>
        tpu.enqueue_indirect_dma source(%dma_start3A_415 : memref<100000x128xf32, #tpu.memory_space<hbm>>) target(%arg9 : memref<128x128xf32, #tpu.memory_space<vmem>>) offsets(%dma_start3A_412 : memref<128xi32, #tpu.memory_space<vmem>>) semaphore(%dma_start3A_417 : memref<!tpu.dma_semaphore, #tpu.memory_space<semaphore_mem>>)
      } else {
      }
      %dma_wait3A_286 = arith.constant 3 : i32
      %dma_wait3A_287 = arith.constant 0 : i32
      %dma_wait3A_288 = tpu.memref_slice %arg6[%add3A_278, %dma_wait3A_287] : memref<50x128xi32, #tpu.memory_space<vmem>> -> memref<1x128xi32, #tpu.memory_space<vmem>>
      %dma_wait3A_289 = tpu.memref_squeeze %dma_wait3A_288 : memref<1x128xi32, #tpu.memory_space<vmem>> -> memref<128xi32, #tpu.memory_space<vmem>>
      %dma_wait3A_290 = arith.constant 0 : i32
      %dma_wait3A_291 = arith.constant 0 : i32
      %dma_wait3A_292 = tpu.memref_slice %arg3[%dma_wait3A_290, %dma_wait3A_291] : memref<100000x128xf32, #tpu.memory_space<hbm>> -> memref<100000x128xf32, #tpu.memory_space<hbm>>
      %dma_wait3A_293 = tpu.memref_slice %arg13[%dma_wait3A_286] : memref<5x!tpu.dma_semaphore, #tpu.memory_space<semaphore_mem>> -> memref<1x!tpu.dma_semaphore, #tpu.memory_space<semaphore_mem>>
      %dma_wait3A_294 = tpu.memref_squeeze %dma_wait3A_293 : memref<1x!tpu.dma_semaphore, #tpu.memory_space<semaphore_mem>> -> memref<!tpu.dma_semaphore, #tpu.memory_space<semaphore_mem>>
      tpu.wait_indirect_dma semaphore(%dma_wait3A_294 : memref<!tpu.dma_semaphore, #tpu.memory_space<semaphore_mem>>) src(%dma_wait3A_292 : memref<100000x128xf32, #tpu.memory_space<hbm>>) dst(%arg11 : memref<128x128xf32, #tpu.memory_space<vmem>>)
      %get3A_295 = arith.index_cast %add3A_278 : i32 to index
      %get3A_296 = arith.constant 0 : index
      %get3A_297 = tpu.vector_load %arg7[%get3A_295, %get3A_296] {strides = array<i32>} : memref<50x128xf32, #tpu.memory_space<vmem>>, vector<1x16xf32>,
      %get3A_298 = vector.shape_cast %get3A_297 : vector<1x16xf32> to vector<16xf32>
      %get3A_299 = arith.index_cast %add3A_278 : i32 to index
      %get3A_300 = arith.constant 16 : index
      %get3A_301 = tpu.vector_load %arg7[%get3A_299, %get3A_300] {strides = array<i32>} : memref<50x128xf32, #tpu.memory_space<vmem>>, vector<1x16xf32>,
      %get3A_302 = vector.shape_cast %get3A_301 : vector<1x16xf32> to vector<16xf32>
      %get3A_303 = arith.index_cast %add3A_278 : i32 to index
      %get3A_304 = arith.constant 32 : index
      %get3A_305 = tpu.vector_load %arg7[%get3A_303, %get3A_304] {strides = array<i32>} : memref<50x128xf32, #tpu.memory_space<vmem>>, vector<1x16xf32>,
      %get3A_306 = vector.shape_cast %get3A_305 : vector<1x16xf32> to vector<16xf32>
      %get3A_307 = arith.index_cast %add3A_278 : i32 to index
      %get3A_308 = arith.constant 48 : index
      %get3A_309 = tpu.vector_load %arg7[%get3A_307, %get3A_308] {strides = array<i32>} : memref<50x128xf32, #tpu.memory_space<vmem>>, vector<1x16xf32>,
      %get3A_310 = vector.shape_cast %get3A_309 : vector<1x16xf32> to vector<16xf32>
      %get3A_311 = arith.index_cast %add3A_278 : i32 to index
      %get3A_312 = arith.constant 64 : index
      %get3A_313 = tpu.vector_load %arg7[%get3A_311, %get3A_312] {strides = array<i32>} : memref<50x128xf32, #tpu.memory_space<vmem>>, vector<1x16xf32>,
      %get3A_314 = vector.shape_cast %get3A_313 : vector<1x16xf32> to vector<16xf32>
      %get3A_315 = arith.index_cast %add3A_278 : i32 to index
      %get3A_316 = arith.constant 80 : index
      %get3A_317 = tpu.vector_load %arg7[%get3A_315, %get3A_316] {strides = array<i32>} : memref<50x128xf32, #tpu.memory_space<vmem>>, vector<1x16xf32>,
      %get3A_318 = vector.shape_cast %get3A_317 : vector<1x16xf32> to vector<16xf32>
      %get3A_319 = arith.index_cast %add3A_278 : i32 to index
      %get3A_320 = arith.constant 96 : index
      %get3A_321 = tpu.vector_load %arg7[%get3A_319, %get3A_320] {strides = array<i32>} : memref<50x128xf32, #tpu.memory_space<vmem>>, vector<1x16xf32>,
      %get3A_322 = vector.shape_cast %get3A_321 : vector<1x16xf32> to vector<16xf32>
      %get3A_323 = arith.index_cast %add3A_278 : i32 to index
      %get3A_324 = arith.constant 112 : index
      %get3A_325 = tpu.vector_load %arg7[%get3A_323, %get3A_324] {strides = array<i32>} : memref<50x128xf32, #tpu.memory_space<vmem>>, vector<1x16xf32>,
      %get3A_326 = vector.shape_cast %get3A_325 : vector<1x16xf32> to vector<16xf32>
      %parallel_loop3A_327 = arith.constant 0 : i32
      %parallel_loop3A_328 = arith.constant 128 : i32
      %parallel_loop3A_329 = arith.constant 1 : i32
      scf.for %parallel_loop3A_403 = %parallel_loop3A_327 to %parallel_loop3A_328 step %parallel_loop3A_329  : i32 {
        %parallel_loop3A_404 = arith.index_cast %parallel_loop3A_403 : i32 to index
        %parallel_loop3A_405 = arith.constant 0 : index
        %parallel_loop3A_406 = tpu.vector_load %arg11[%parallel_loop3A_404, %parallel_loop3A_405] {strides = array<i32>} : memref<128x128xf32, #tpu.memory_space<vmem>>, vector<1x16xf32>,
        %parallel_loop3A_407 = vector.shape_cast %parallel_loop3A_406 : vector<1x16xf32> to vector<16xf32>
        %parallel_loop3A_408 = vector.broadcast %scan3A_32 : f32 to vector<16xf32>
        %parallel_loop3A_409 = arith.mulf %parallel_loop3A_407, %parallel_loop3A_408 : vector<16xf32>
        %parallel_loop3A_410 = arith.addf %parallel_loop3A_409, %get3A_298 : vector<16xf32>
        %parallel_loop3A_411 = arith.index_cast %parallel_loop3A_403 : i32 to index
        %parallel_loop3A_412 = arith.constant 0 : index
        %parallel_loop3A_413 = tpu.vector_load %arg11[%parallel_loop3A_411, %parallel_loop3A_412] {strides = array<i32>} : memref<128x128xf32, #tpu.memory_space<vmem>>, vector<1x16xf32>,
        %parallel_loop3A_414 = vector.shape_cast %parallel_loop3A_413 : vector<1x16xf32> to vector<16xf32>
        %parallel_loop3A_415 = vector.shape_cast %parallel_loop3A_410 : vector<16xf32> to vector<1x16xf32>
        tpu.vector_store %arg11[%parallel_loop3A_411, %parallel_loop3A_412], %parallel_loop3A_415 {strides = array<i32>} : memref<128x128xf32, #tpu.memory_space<vmem>>, vector<1x16xf32>,
        %parallel_loop3A_416 = arith.index_cast %parallel_loop3A_403 : i32 to index
        %parallel_loop3A_417 = arith.constant 16 : index
        %parallel_loop3A_418 = tpu.vector_load %arg11[%parallel_loop3A_416, %parallel_loop3A_417] {strides = array<i32>} : memref<128x128xf32, #tpu.memory_space<vmem>>, vector<1x16xf32>,
        %parallel_loop3A_419 = vector.shape_cast %parallel_loop3A_418 : vector<1x16xf32> to vector<16xf32>
        %parallel_loop3A_420 = vector.broadcast %scan3A_32 : f32 to vector<16xf32>
        %parallel_loop3A_421 = arith.mulf %parallel_loop3A_419, %parallel_loop3A_420 : vector<16xf32>
        %parallel_loop3A_422 = arith.addf %parallel_loop3A_421, %get3A_302 : vector<16xf32>
        %parallel_loop3A_423 = arith.index_cast %parallel_loop3A_403 : i32 to index
        %parallel_loop3A_424 = arith.constant 16 : index
        %parallel_loop3A_425 = tpu.vector_load %arg11[%parallel_loop3A_423, %parallel_loop3A_424] {strides = array<i32>} : memref<128x128xf32, #tpu.memory_space<vmem>>, vector<1x16xf32>,
        %parallel_loop3A_426 = vector.shape_cast %parallel_loop3A_425 : vector<1x16xf32> to vector<16xf32>
        %parallel_loop3A_427 = vector.shape_cast %parallel_loop3A_422 : vector<16xf32> to vector<1x16xf32>
        tpu.vector_store %arg11[%parallel_loop3A_423, %parallel_loop3A_424], %parallel_loop3A_427 {strides = array<i32>} : memref<128x128xf32, #tpu.memory_space<vmem>>, vector<1x16xf32>,
        %parallel_loop3A_428 = arith.index_cast %parallel_loop3A_403 : i32 to index
        %parallel_loop3A_429 = arith.constant 32 : index
        %parallel_loop3A_430 = tpu.vector_load %arg11[%parallel_loop3A_428, %parallel_loop3A_429] {strides = array<i32>} : memref<128x128xf32, #tpu.memory_space<vmem>>, vector<1x16xf32>,
        %parallel_loop3A_431 = vector.shape_cast %parallel_loop3A_430 : vector<1x16xf32> to vector<16xf32>
        %parallel_loop3A_432 = vector.broadcast %scan3A_32 : f32 to vector<16xf32>
        %parallel_loop3A_433 = arith.mulf %parallel_loop3A_431, %parallel_loop3A_432 : vector<16xf32>
        %parallel_loop3A_434 = arith.addf %parallel_loop3A_433, %get3A_306 : vector<16xf32>
        %parallel_loop3A_435 = arith.index_cast %parallel_loop3A_403 : i32 to index
        %parallel_loop3A_436 = arith.constant 32 : index
        %parallel_loop3A_437 = tpu.vector_load %arg11[%parallel_loop3A_435, %parallel_loop3A_436] {strides = array<i32>} : memref<128x128xf32, #tpu.memory_space<vmem>>, vector<1x16xf32>,
        %parallel_loop3A_438 = vector.shape_cast %parallel_loop3A_437 : vector<1x16xf32> to vector<16xf32>
        %parallel_loop3A_439 = vector.shape_cast %parallel_loop3A_434 : vector<16xf32> to vector<1x16xf32>
        tpu.vector_store %arg11[%parallel_loop3A_435, %parallel_loop3A_436], %parallel_loop3A_439 {strides = array<i32>} : memref<128x128xf32, #tpu.memory_space<vmem>>, vector<1x16xf32>,
        %parallel_loop3A_440 = arith.index_cast %parallel_loop3A_403 : i32 to index
        %parallel_loop3A_441 = arith.constant 48 : index
        %parallel_loop3A_442 = tpu.vector_load %arg11[%parallel_loop3A_440, %parallel_loop3A_441] {strides = array<i32>} : memref<128x128xf32, #tpu.memory_space<vmem>>, vector<1x16xf32>,
        %parallel_loop3A_443 = vector.shape_cast %parallel_loop3A_442 : vector<1x16xf32> to vector<16xf32>
        %parallel_loop3A_444 = vector.broadcast %scan3A_32 : f32 to vector<16xf32>
        %parallel_loop3A_445 = arith.mulf %parallel_loop3A_443, %parallel_loop3A_444 : vector<16xf32>
        %parallel_loop3A_446 = arith.addf %parallel_loop3A_445, %get3A_310 : vector<16xf32>
        %parallel_loop3A_447 = arith.index_cast %parallel_loop3A_403 : i32 to index
        %parallel_loop3A_448 = arith.constant 48 : index
        %parallel_loop3A_449 = tpu.vector_load %arg11[%parallel_loop3A_447, %parallel_loop3A_448] {strides = array<i32>} : memref<128x128xf32, #tpu.memory_space<vmem>>, vector<1x16xf32>,
        %parallel_loop3A_450 = vector.shape_cast %parallel_loop3A_449 : vector<1x16xf32> to vector<16xf32>
        %parallel_loop3A_451 = vector.shape_cast %parallel_loop3A_446 : vector<16xf32> to vector<1x16xf32>
        tpu.vector_store %arg11[%parallel_loop3A_447, %parallel_loop3A_448], %parallel_loop3A_451 {strides = array<i32>} : memref<128x128xf32, #tpu.memory_space<vmem>>, vector<1x16xf32>,
        %parallel_loop3A_452 = arith.index_cast %parallel_loop3A_403 : i32 to index
        %parallel_loop3A_453 = arith.constant 64 : index
        %parallel_loop3A_454 = tpu.vector_load %arg11[%parallel_loop3A_452, %parallel_loop3A_453] {strides = array<i32>} : memref<128x128xf32, #tpu.memory_space<vmem>>, vector<1x16xf32>,
        %parallel_loop3A_455 = vector.shape_cast %parallel_loop3A_454 : vector<1x16xf32> to vector<16xf32>
        %parallel_loop3A_456 = vector.broadcast %scan3A_32 : f32 to vector<16xf32>
        %parallel_loop3A_457 = arith.mulf %parallel_loop3A_455, %parallel_loop3A_456 : vector<16xf32>
        %parallel_loop3A_458 = arith.addf %parallel_loop3A_457, %get3A_314 : vector<16xf32>
        %parallel_loop3A_459 = arith.index_cast %parallel_loop3A_403 : i32 to index
        %parallel_loop3A_460 = arith.constant 64 : index
        %parallel_loop3A_461 = tpu.vector_load %arg11[%parallel_loop3A_459, %parallel_loop3A_460] {strides = array<i32>} : memref<128x128xf32, #tpu.memory_space<vmem>>, vector<1x16xf32>,
        %parallel_loop3A_462 = vector.shape_cast %parallel_loop3A_461 : vector<1x16xf32> to vector<16xf32>
        %parallel_loop3A_463 = vector.shape_cast %parallel_loop3A_458 : vector<16xf32> to vector<1x16xf32>
        tpu.vector_store %arg11[%parallel_loop3A_459, %parallel_loop3A_460], %parallel_loop3A_463 {strides = array<i32>} : memref<128x128xf32, #tpu.memory_space<vmem>>, vector<1x16xf32>,
        %parallel_loop3A_464 = arith.index_cast %parallel_loop3A_403 : i32 to index
        %parallel_loop3A_465 = arith.constant 80 : index
        %parallel_loop3A_466 = tpu.vector_load %arg11[%parallel_loop3A_464, %parallel_loop3A_465] {strides = array<i32>} : memref<128x128xf32, #tpu.memory_space<vmem>>, vector<1x16xf32>,
        %parallel_loop3A_467 = vector.shape_cast %parallel_loop3A_466 : vector<1x16xf32> to vector<16xf32>
        %parallel_loop3A_468 = vector.broadcast %scan3A_32 : f32 to vector<16xf32>
        %parallel_loop3A_469 = arith.mulf %parallel_loop3A_467, %parallel_loop3A_468 : vector<16xf32>
        %parallel_loop3A_470 = arith.addf %parallel_loop3A_469, %get3A_318 : vector<16xf32>
        %parallel_loop3A_471 = arith.index_cast %parallel_loop3A_403 : i32 to index
        %parallel_loop3A_472 = arith.constant 80 : index
        %parallel_loop3A_473 = tpu.vector_load %arg11[%parallel_loop3A_471, %parallel_loop3A_472] {strides = array<i32>} : memref<128x128xf32, #tpu.memory_space<vmem>>, vector<1x16xf32>,
        %parallel_loop3A_474 = vector.shape_cast %parallel_loop3A_473 : vector<1x16xf32> to vector<16xf32>
        %parallel_loop3A_475 = vector.shape_cast %parallel_loop3A_470 : vector<16xf32> to vector<1x16xf32>
        tpu.vector_store %arg11[%parallel_loop3A_471, %parallel_loop3A_472], %parallel_loop3A_475 {strides = array<i32>} : memref<128x128xf32, #tpu.memory_space<vmem>>, vector<1x16xf32>,
        %parallel_loop3A_476 = arith.index_cast %parallel_loop3A_403 : i32 to index
        %parallel_loop3A_477 = arith.constant 96 : index
        %parallel_loop3A_478 = tpu.vector_load %arg11[%parallel_loop3A_476, %parallel_loop3A_477] {strides = array<i32>} : memref<128x128xf32, #tpu.memory_space<vmem>>, vector<1x16xf32>,
        %parallel_loop3A_479 = vector.shape_cast %parallel_loop3A_478 : vector<1x16xf32> to vector<16xf32>
        %parallel_loop3A_480 = vector.broadcast %scan3A_32 : f32 to vector<16xf32>
        %parallel_loop3A_481 = arith.mulf %parallel_loop3A_479, %parallel_loop3A_480 : vector<16xf32>
        %parallel_loop3A_482 = arith.addf %parallel_loop3A_481, %get3A_322 : vector<16xf32>
        %parallel_loop3A_483 = arith.index_cast %parallel_loop3A_403 : i32 to index
        %parallel_loop3A_484 = arith.constant 96 : index
        %parallel_loop3A_485 = tpu.vector_load %arg11[%parallel_loop3A_483, %parallel_loop3A_484] {strides = array<i32>} : memref<128x128xf32, #tpu.memory_space<vmem>>, vector<1x16xf32>,
        %parallel_loop3A_486 = vector.shape_cast %parallel_loop3A_485 : vector<1x16xf32> to vector<16xf32>
        %parallel_loop3A_487 = vector.shape_cast %parallel_loop3A_482 : vector<16xf32> to vector<1x16xf32>
        tpu.vector_store %arg11[%parallel_loop3A_483, %parallel_loop3A_484], %parallel_loop3A_487 {strides = array<i32>} : memref<128x128xf32, #tpu.memory_space<vmem>>, vector<1x16xf32>,
        %parallel_loop3A_488 = arith.index_cast %parallel_loop3A_403 : i32 to index
        %parallel_loop3A_489 = arith.constant 112 : index
        %parallel_loop3A_490 = tpu.vector_load %arg11[%parallel_loop3A_488, %parallel_loop3A_489] {strides = array<i32>} : memref<128x128xf32, #tpu.memory_space<vmem>>, vector<1x16xf32>,
        %parallel_loop3A_491 = vector.shape_cast %parallel_loop3A_490 : vector<1x16xf32> to vector<16xf32>
        %parallel_loop3A_492 = vector.broadcast %scan3A_32 : f32 to vector<16xf32>
        %parallel_loop3A_493 = arith.mulf %parallel_loop3A_491, %parallel_loop3A_492 : vector<16xf32>
        %parallel_loop3A_494 = arith.addf %parallel_loop3A_493, %get3A_326 : vector<16xf32>
        %parallel_loop3A_495 = arith.index_cast %parallel_loop3A_403 : i32 to index
        %parallel_loop3A_496 = arith.constant 112 : index
        %parallel_loop3A_497 = tpu.vector_load %arg11[%parallel_loop3A_495, %parallel_loop3A_496] {strides = array<i32>} : memref<128x128xf32, #tpu.memory_space<vmem>>, vector<1x16xf32>,
        %parallel_loop3A_498 = vector.shape_cast %parallel_loop3A_497 : vector<1x16xf32> to vector<16xf32>
        %parallel_loop3A_499 = vector.shape_cast %parallel_loop3A_494 : vector<16xf32> to vector<1x16xf32>
        tpu.vector_store %arg11[%parallel_loop3A_495, %parallel_loop3A_496], %parallel_loop3A_499 {strides = array<i32>} : memref<128x128xf32, #tpu.memory_space<vmem>>, vector<1x16xf32>,
      } {sc.loop_unroll_factor = 2 : i64, sc.parallel_access}
      %dma_start3A_330 = arith.constant 3 : i32
      %dma_start3A_331 = arith.constant 0 : i32
      %dma_start3A_332 = tpu.memref_slice %arg5[%add3A_278, %mul3A_2, %dma_start3A_331] : memref<50x4096x128xf32, #tpu.memory_space<hbm>> -> memref<1x128x128xf32, #tpu.memory_space<hbm>>
      %dma_start3A_333 = tpu.memref_squeeze %dma_start3A_332 : memref<1x128x128xf32, #tpu.memory_space<hbm>> -> memref<128x128xf32, #tpu.memory_space<hbm>>
      %dma_start3A_334 = tpu.memref_slice %arg14[%dma_start3A_330] : memref<5x!tpu.dma_semaphore, #tpu.memory_space<semaphore_mem>> -> memref<1x!tpu.dma_semaphore, #tpu.memory_space<semaphore_mem>>
      %dma_start3A_335 = tpu.memref_squeeze %dma_start3A_334 : memref<1x!tpu.dma_semaphore, #tpu.memory_space<semaphore_mem>> -> memref<!tpu.dma_semaphore, #tpu.memory_space<semaphore_mem>>
      %dma_start3A_336 = arith.constant 0 : i32
      %dma_start3A_337 = tpu.memref_slice %arg5[%add3A_278, %mul3A_2, %dma_start3A_336] : memref<50x4096x128xf32, #tpu.memory_space<hbm>> -> memref<1x128x128xf32, #tpu.memory_space<hbm>>
      %dma_start3A_338 = tpu.memref_squeeze %dma_start3A_337 : memref<1x128x128xf32, #tpu.memory_space<hbm>> -> memref<128x128xf32, #tpu.memory_space<hbm>>
      tpu.enqueue_dma source(%arg11 : memref<128x128xf32, #tpu.memory_space<vmem>>) target(%dma_start3A_338 : memref<128x128xf32, #tpu.memory_space<hbm>>) target_semaphore(%dma_start3A_335 : memref<!tpu.dma_semaphore, #tpu.memory_space<semaphore_mem>>)
      %mul3A_339 = arith.constant 5 : i32
      %mul3A_340 = arith.muli %scan3A_87, %mul3A_339 : i32
      %add3A_341 = arith.constant 4 : i32
      %add3A_342 = arith.addi %mul3A_340, %add3A_341 : i32
      %add3A_343 = arith.constant 3 : i32
      %add3A_344 = arith.addi %add3A_342, %add3A_343 : i32
      %lt3A_345 = arith.constant 50 : i32
      %lt3A_346 = arith.cmpi slt, %add3A_344, %lt3A_345 : i32
      %convert_element_type3A_347 = arith.extui %lt3A_346 : i1 to i32
      %cond3A_348 = arith.constant 0 : i32
      %cond3A_349 = arith.cmpi ne, %convert_element_type3A_347, %cond3A_348 : i32
      scf.if %cond3A_349 {
        %ge3A = arith.constant 2 : i32
        %ge3A_403 = arith.cmpi sge, %add3A_342, %ge3A : i32
        %convert_element_type3A_404 = arith.extui %ge3A_403 : i1 to i32
        %cond3A_405 = arith.constant 0 : i32
        %cond3A_406 = arith.cmpi ne, %convert_element_type3A_404, %cond3A_405 : i32
        scf.if %cond3A_406 {
          %sub3A = arith.constant 2 : i32
          %sub3A_418 = arith.subi %add3A_342, %sub3A : i32
          %dma_wait3A_419 = arith.constant 2 : i32
          %dma_wait3A_420 = arith.constant 0 : i32
          %dma_wait3A_421 = tpu.memref_slice %arg5[%sub3A_418, %mul3A_2, %dma_wait3A_420] : memref<50x4096x128xf32, #tpu.memory_space<hbm>> -> memref<1x128x128xf32, #tpu.memory_space<hbm>>
          %dma_wait3A_422 = tpu.memref_squeeze %dma_wait3A_421 : memref<1x128x128xf32, #tpu.memory_space<hbm>> -> memref<128x128xf32, #tpu.memory_space<hbm>>
          %dma_wait3A_423 = tpu.memref_slice %arg14[%dma_wait3A_419] : memref<5x!tpu.dma_semaphore, #tpu.memory_space<semaphore_mem>> -> memref<1x!tpu.dma_semaphore, #tpu.memory_space<semaphore_mem>>
          %dma_wait3A_424 = tpu.memref_squeeze %dma_wait3A_423 : memref<1x!tpu.dma_semaphore, #tpu.memory_space<semaphore_mem>> -> memref<!tpu.dma_semaphore, #tpu.memory_space<semaphore_mem>>
          %dma_wait3A_425 = arith.constant 0 : i32
          %dma_wait3A_426 = tpu.memref_slice %arg5[%sub3A_418, %mul3A_2, %dma_wait3A_425] : memref<50x4096x128xf32, #tpu.memory_space<hbm>> -> memref<1x128x128xf32, #tpu.memory_space<hbm>>
          %dma_wait3A_427 = tpu.memref_squeeze %dma_wait3A_426 : memref<1x128x128xf32, #tpu.memory_space<hbm>> -> memref<128x128xf32, #tpu.memory_space<hbm>>
          tpu.wait_dma2 semaphore(%dma_wait3A_424 : memref<!tpu.dma_semaphore, #tpu.memory_space<semaphore_mem>>) src(%arg10 : memref<128x128xf32, #tpu.memory_space<vmem>>) dst(%dma_wait3A_427 : memref<128x128xf32, #tpu.memory_space<hbm>>)
        } else {
        }
        %add3A_407 = arith.constant 3 : i32
        %add3A_408 = arith.addi %add3A_342, %add3A_407 : i32
        %dma_start3A_409 = arith.constant 2 : i32
        %dma_start3A_410 = arith.constant 0 : i32
        %dma_start3A_411 = tpu.memref_slice %arg6[%add3A_408, %dma_start3A_410] : memref<50x128xi32, #tpu.memory_space<vmem>> -> memref<1x128xi32, #tpu.memory_space<vmem>>
        %dma_start3A_412 = tpu.memref_squeeze %dma_start3A_411 : memref<1x128xi32, #tpu.memory_space<vmem>> -> memref<128xi32, #tpu.memory_space<vmem>>
        %dma_start3A_413 = arith.constant 0 : i32
        %dma_start3A_414 = arith.constant 0 : i32
        %dma_start3A_415 = tpu.memref_slice %arg3[%dma_start3A_413, %dma_start3A_414] : memref<100000x128xf32, #tpu.memory_space<hbm>> -> memref<100000x128xf32, #tpu.memory_space<hbm>>
        %dma_start3A_416 = tpu.memref_slice %arg13[%dma_start3A_409] : memref<5x!tpu.dma_semaphore, #tpu.memory_space<semaphore_mem>> -> memref<1x!tpu.dma_semaphore, #tpu.memory_space<semaphore_mem>>
        %dma_start3A_417 = tpu.memref_squeeze %dma_start3A_416 : memref<1x!tpu.dma_semaphore, #tpu.memory_space<semaphore_mem>> -> memref<!tpu.dma_semaphore, #tpu.memory_space<semaphore_mem>>
        tpu.enqueue_indirect_dma source(%dma_start3A_415 : memref<100000x128xf32, #tpu.memory_space<hbm>>) target(%arg10 : memref<128x128xf32, #tpu.memory_space<vmem>>) offsets(%dma_start3A_412 : memref<128xi32, #tpu.memory_space<vmem>>) semaphore(%dma_start3A_417 : memref<!tpu.dma_semaphore, #tpu.memory_space<semaphore_mem>>)
      } else {
      }
      %dma_wait3A_350 = arith.constant 4 : i32
      %dma_wait3A_351 = arith.constant 0 : i32
      %dma_wait3A_352 = tpu.memref_slice %arg6[%add3A_342, %dma_wait3A_351] : memref<50x128xi32, #tpu.memory_space<vmem>> -> memref<1x128xi32, #tpu.memory_space<vmem>>
      %dma_wait3A_353 = tpu.memref_squeeze %dma_wait3A_352 : memref<1x128xi32, #tpu.memory_space<vmem>> -> memref<128xi32, #tpu.memory_space<vmem>>
      %dma_wait3A_354 = arith.constant 0 : i32
      %dma_wait3A_355 = arith.constant 0 : i32
      %dma_wait3A_356 = tpu.memref_slice %arg3[%dma_wait3A_354, %dma_wait3A_355] : memref<100000x128xf32, #tpu.memory_space<hbm>> -> memref<100000x128xf32, #tpu.memory_space<hbm>>
      %dma_wait3A_357 = tpu.memref_slice %arg13[%dma_wait3A_350] : memref<5x!tpu.dma_semaphore, #tpu.memory_space<semaphore_mem>> -> memref<1x!tpu.dma_semaphore, #tpu.memory_space<semaphore_mem>>
      %dma_wait3A_358 = tpu.memref_squeeze %dma_wait3A_357 : memref<1x!tpu.dma_semaphore, #tpu.memory_space<semaphore_mem>> -> memref<!tpu.dma_semaphore, #tpu.memory_space<semaphore_mem>>
      tpu.wait_indirect_dma semaphore(%dma_wait3A_358 : memref<!tpu.dma_semaphore, #tpu.memory_space<semaphore_mem>>) src(%dma_wait3A_356 : memref<100000x128xf32, #tpu.memory_space<hbm>>) dst(%arg12 : memref<128x128xf32, #tpu.memory_space<vmem>>)
      %get3A_359 = arith.index_cast %add3A_342 : i32 to index
      %get3A_360 = arith.constant 0 : index
      %get3A_361 = tpu.vector_load %arg7[%get3A_359, %get3A_360] {strides = array<i32>} : memref<50x128xf32, #tpu.memory_space<vmem>>, vector<1x16xf32>,
      %get3A_362 = vector.shape_cast %get3A_361 : vector<1x16xf32> to vector<16xf32>
      %get3A_363 = arith.index_cast %add3A_342 : i32 to index
      %get3A_364 = arith.constant 16 : index
      %get3A_365 = tpu.vector_load %arg7[%get3A_363, %get3A_364] {strides = array<i32>} : memref<50x128xf32, #tpu.memory_space<vmem>>, vector<1x16xf32>,
      %get3A_366 = vector.shape_cast %get3A_365 : vector<1x16xf32> to vector<16xf32>
      %get3A_367 = arith.index_cast %add3A_342 : i32 to index
      %get3A_368 = arith.constant 32 : index
      %get3A_369 = tpu.vector_load %arg7[%get3A_367, %get3A_368] {strides = array<i32>} : memref<50x128xf32, #tpu.memory_space<vmem>>, vector<1x16xf32>,
      %get3A_370 = vector.shape_cast %get3A_369 : vector<1x16xf32> to vector<16xf32>
      %get3A_371 = arith.index_cast %add3A_342 : i32 to index
      %get3A_372 = arith.constant 48 : index
      %get3A_373 = tpu.vector_load %arg7[%get3A_371, %get3A_372] {strides = array<i32>} : memref<50x128xf32, #tpu.memory_space<vmem>>, vector<1x16xf32>,
      %get3A_374 = vector.shape_cast %get3A_373 : vector<1x16xf32> to vector<16xf32>
      %get3A_375 = arith.index_cast %add3A_342 : i32 to index
      %get3A_376 = arith.constant 64 : index
      %get3A_377 = tpu.vector_load %arg7[%get3A_375, %get3A_376] {strides = array<i32>} : memref<50x128xf32, #tpu.memory_space<vmem>>, vector<1x16xf32>,
      %get3A_378 = vector.shape_cast %get3A_377 : vector<1x16xf32> to vector<16xf32>
      %get3A_379 = arith.index_cast %add3A_342 : i32 to index
      %get3A_380 = arith.constant 80 : index
      %get3A_381 = tpu.vector_load %arg7[%get3A_379, %get3A_380] {strides = array<i32>} : memref<50x128xf32, #tpu.memory_space<vmem>>, vector<1x16xf32>,
      %get3A_382 = vector.shape_cast %get3A_381 : vector<1x16xf32> to vector<16xf32>
      %get3A_383 = arith.index_cast %add3A_342 : i32 to index
      %get3A_384 = arith.constant 96 : index
      %get3A_385 = tpu.vector_load %arg7[%get3A_383, %get3A_384] {strides = array<i32>} : memref<50x128xf32, #tpu.memory_space<vmem>>, vector<1x16xf32>,
      %get3A_386 = vector.shape_cast %get3A_385 : vector<1x16xf32> to vector<16xf32>
      %get3A_387 = arith.index_cast %add3A_342 : i32 to index
      %get3A_388 = arith.constant 112 : index
      %get3A_389 = tpu.vector_load %arg7[%get3A_387, %get3A_388] {strides = array<i32>} : memref<50x128xf32, #tpu.memory_space<vmem>>, vector<1x16xf32>,
      %get3A_390 = vector.shape_cast %get3A_389 : vector<1x16xf32> to vector<16xf32>
      %parallel_loop3A_391 = arith.constant 0 : i32
      %parallel_loop3A_392 = arith.constant 128 : i32
      %parallel_loop3A_393 = arith.constant 1 : i32
      scf.for %parallel_loop3A_403 = %parallel_loop3A_391 to %parallel_loop3A_392 step %parallel_loop3A_393  : i32 {
        %parallel_loop3A_404 = arith.index_cast %parallel_loop3A_403 : i32 to index
        %parallel_loop3A_405 = arith.constant 0 : index
        %parallel_loop3A_406 = tpu.vector_load %arg12[%parallel_loop3A_404, %parallel_loop3A_405] {strides = array<i32>} : memref<128x128xf32, #tpu.memory_space<vmem>>, vector<1x16xf32>,
        %parallel_loop3A_407 = vector.shape_cast %parallel_loop3A_406 : vector<1x16xf32> to vector<16xf32>
        %parallel_loop3A_408 = vector.broadcast %scan3A_32 : f32 to vector<16xf32>
        %parallel_loop3A_409 = arith.mulf %parallel_loop3A_407, %parallel_loop3A_408 : vector<16xf32>
        %parallel_loop3A_410 = arith.addf %parallel_loop3A_409, %get3A_362 : vector<16xf32>
        %parallel_loop3A_411 = arith.index_cast %parallel_loop3A_403 : i32 to index
        %parallel_loop3A_412 = arith.constant 0 : index
        %parallel_loop3A_413 = tpu.vector_load %arg12[%parallel_loop3A_411, %parallel_loop3A_412] {strides = array<i32>} : memref<128x128xf32, #tpu.memory_space<vmem>>, vector<1x16xf32>,
        %parallel_loop3A_414 = vector.shape_cast %parallel_loop3A_413 : vector<1x16xf32> to vector<16xf32>
        %parallel_loop3A_415 = vector.shape_cast %parallel_loop3A_410 : vector<16xf32> to vector<1x16xf32>
        tpu.vector_store %arg12[%parallel_loop3A_411, %parallel_loop3A_412], %parallel_loop3A_415 {strides = array<i32>} : memref<128x128xf32, #tpu.memory_space<vmem>>, vector<1x16xf32>,
        %parallel_loop3A_416 = arith.index_cast %parallel_loop3A_403 : i32 to index
        %parallel_loop3A_417 = arith.constant 16 : index
        %parallel_loop3A_418 = tpu.vector_load %arg12[%parallel_loop3A_416, %parallel_loop3A_417] {strides = array<i32>} : memref<128x128xf32, #tpu.memory_space<vmem>>, vector<1x16xf32>,
        %parallel_loop3A_419 = vector.shape_cast %parallel_loop3A_418 : vector<1x16xf32> to vector<16xf32>
        %parallel_loop3A_420 = vector.broadcast %scan3A_32 : f32 to vector<16xf32>
        %parallel_loop3A_421 = arith.mulf %parallel_loop3A_419, %parallel_loop3A_420 : vector<16xf32>
        %parallel_loop3A_422 = arith.addf %parallel_loop3A_421, %get3A_366 : vector<16xf32>
        %parallel_loop3A_423 = arith.index_cast %parallel_loop3A_403 : i32 to index
        %parallel_loop3A_424 = arith.constant 16 : index
        %parallel_loop3A_425 = tpu.vector_load %arg12[%parallel_loop3A_423, %parallel_loop3A_424] {strides = array<i32>} : memref<128x128xf32, #tpu.memory_space<vmem>>, vector<1x16xf32>,
        %parallel_loop3A_426 = vector.shape_cast %parallel_loop3A_425 : vector<1x16xf32> to vector<16xf32>
        %parallel_loop3A_427 = vector.shape_cast %parallel_loop3A_422 : vector<16xf32> to vector<1x16xf32>
        tpu.vector_store %arg12[%parallel_loop3A_423, %parallel_loop3A_424], %parallel_loop3A_427 {strides = array<i32>} : memref<128x128xf32, #tpu.memory_space<vmem>>, vector<1x16xf32>,
        %parallel_loop3A_428 = arith.index_cast %parallel_loop3A_403 : i32 to index
        %parallel_loop3A_429 = arith.constant 32 : index
        %parallel_loop3A_430 = tpu.vector_load %arg12[%parallel_loop3A_428, %parallel_loop3A_429] {strides = array<i32>} : memref<128x128xf32, #tpu.memory_space<vmem>>, vector<1x16xf32>,
        %parallel_loop3A_431 = vector.shape_cast %parallel_loop3A_430 : vector<1x16xf32> to vector<16xf32>
        %parallel_loop3A_432 = vector.broadcast %scan3A_32 : f32 to vector<16xf32>
        %parallel_loop3A_433 = arith.mulf %parallel_loop3A_431, %parallel_loop3A_432 : vector<16xf32>
        %parallel_loop3A_434 = arith.addf %parallel_loop3A_433, %get3A_370 : vector<16xf32>
        %parallel_loop3A_435 = arith.index_cast %parallel_loop3A_403 : i32 to index
        %parallel_loop3A_436 = arith.constant 32 : index
        %parallel_loop3A_437 = tpu.vector_load %arg12[%parallel_loop3A_435, %parallel_loop3A_436] {strides = array<i32>} : memref<128x128xf32, #tpu.memory_space<vmem>>, vector<1x16xf32>,
        %parallel_loop3A_438 = vector.shape_cast %parallel_loop3A_437 : vector<1x16xf32> to vector<16xf32>
        %parallel_loop3A_439 = vector.shape_cast %parallel_loop3A_434 : vector<16xf32> to vector<1x16xf32>
        tpu.vector_store %arg12[%parallel_loop3A_435, %parallel_loop3A_436], %parallel_loop3A_439 {strides = array<i32>} : memref<128x128xf32, #tpu.memory_space<vmem>>, vector<1x16xf32>,
        %parallel_loop3A_440 = arith.index_cast %parallel_loop3A_403 : i32 to index
        %parallel_loop3A_441 = arith.constant 48 : index
        %parallel_loop3A_442 = tpu.vector_load %arg12[%parallel_loop3A_440, %parallel_loop3A_441] {strides = array<i32>} : memref<128x128xf32, #tpu.memory_space<vmem>>, vector<1x16xf32>,
        %parallel_loop3A_443 = vector.shape_cast %parallel_loop3A_442 : vector<1x16xf32> to vector<16xf32>
        %parallel_loop3A_444 = vector.broadcast %scan3A_32 : f32 to vector<16xf32>
        %parallel_loop3A_445 = arith.mulf %parallel_loop3A_443, %parallel_loop3A_444 : vector<16xf32>
        %parallel_loop3A_446 = arith.addf %parallel_loop3A_445, %get3A_374 : vector<16xf32>
        %parallel_loop3A_447 = arith.index_cast %parallel_loop3A_403 : i32 to index
        %parallel_loop3A_448 = arith.constant 48 : index
        %parallel_loop3A_449 = tpu.vector_load %arg12[%parallel_loop3A_447, %parallel_loop3A_448] {strides = array<i32>} : memref<128x128xf32, #tpu.memory_space<vmem>>, vector<1x16xf32>,
        %parallel_loop3A_450 = vector.shape_cast %parallel_loop3A_449 : vector<1x16xf32> to vector<16xf32>
        %parallel_loop3A_451 = vector.shape_cast %parallel_loop3A_446 : vector<16xf32> to vector<1x16xf32>
        tpu.vector_store %arg12[%parallel_loop3A_447, %parallel_loop3A_448], %parallel_loop3A_451 {strides = array<i32>} : memref<128x128xf32, #tpu.memory_space<vmem>>, vector<1x16xf32>,
        %parallel_loop3A_452 = arith.index_cast %parallel_loop3A_403 : i32 to index
        %parallel_loop3A_453 = arith.constant 64 : index
        %parallel_loop3A_454 = tpu.vector_load %arg12[%parallel_loop3A_452, %parallel_loop3A_453] {strides = array<i32>} : memref<128x128xf32, #tpu.memory_space<vmem>>, vector<1x16xf32>,
        %parallel_loop3A_455 = vector.shape_cast %parallel_loop3A_454 : vector<1x16xf32> to vector<16xf32>
        %parallel_loop3A_456 = vector.broadcast %scan3A_32 : f32 to vector<16xf32>
        %parallel_loop3A_457 = arith.mulf %parallel_loop3A_455, %parallel_loop3A_456 : vector<16xf32>
        %parallel_loop3A_458 = arith.addf %parallel_loop3A_457, %get3A_378 : vector<16xf32>
        %parallel_loop3A_459 = arith.index_cast %parallel_loop3A_403 : i32 to index
        %parallel_loop3A_460 = arith.constant 64 : index
        %parallel_loop3A_461 = tpu.vector_load %arg12[%parallel_loop3A_459, %parallel_loop3A_460] {strides = array<i32>} : memref<128x128xf32, #tpu.memory_space<vmem>>, vector<1x16xf32>,
        %parallel_loop3A_462 = vector.shape_cast %parallel_loop3A_461 : vector<1x16xf32> to vector<16xf32>
        %parallel_loop3A_463 = vector.shape_cast %parallel_loop3A_458 : vector<16xf32> to vector<1x16xf32>
        tpu.vector_store %arg12[%parallel_loop3A_459, %parallel_loop3A_460], %parallel_loop3A_463 {strides = array<i32>} : memref<128x128xf32, #tpu.memory_space<vmem>>, vector<1x16xf32>,
        %parallel_loop3A_464 = arith.index_cast %parallel_loop3A_403 : i32 to index
        %parallel_loop3A_465 = arith.constant 80 : index
        %parallel_loop3A_466 = tpu.vector_load %arg12[%parallel_loop3A_464, %parallel_loop3A_465] {strides = array<i32>} : memref<128x128xf32, #tpu.memory_space<vmem>>, vector<1x16xf32>,
        %parallel_loop3A_467 = vector.shape_cast %parallel_loop3A_466 : vector<1x16xf32> to vector<16xf32>
        %parallel_loop3A_468 = vector.broadcast %scan3A_32 : f32 to vector<16xf32>
        %parallel_loop3A_469 = arith.mulf %parallel_loop3A_467, %parallel_loop3A_468 : vector<16xf32>
        %parallel_loop3A_470 = arith.addf %parallel_loop3A_469, %get3A_382 : vector<16xf32>
        %parallel_loop3A_471 = arith.index_cast %parallel_loop3A_403 : i32 to index
        %parallel_loop3A_472 = arith.constant 80 : index
        %parallel_loop3A_473 = tpu.vector_load %arg12[%parallel_loop3A_471, %parallel_loop3A_472] {strides = array<i32>} : memref<128x128xf32, #tpu.memory_space<vmem>>, vector<1x16xf32>,
        %parallel_loop3A_474 = vector.shape_cast %parallel_loop3A_473 : vector<1x16xf32> to vector<16xf32>
        %parallel_loop3A_475 = vector.shape_cast %parallel_loop3A_470 : vector<16xf32> to vector<1x16xf32>
        tpu.vector_store %arg12[%parallel_loop3A_471, %parallel_loop3A_472], %parallel_loop3A_475 {strides = array<i32>} : memref<128x128xf32, #tpu.memory_space<vmem>>, vector<1x16xf32>,
        %parallel_loop3A_476 = arith.index_cast %parallel_loop3A_403 : i32 to index
        %parallel_loop3A_477 = arith.constant 96 : index
        %parallel_loop3A_478 = tpu.vector_load %arg12[%parallel_loop3A_476, %parallel_loop3A_477] {strides = array<i32>} : memref<128x128xf32, #tpu.memory_space<vmem>>, vector<1x16xf32>,
        %parallel_loop3A_479 = vector.shape_cast %parallel_loop3A_478 : vector<1x16xf32> to vector<16xf32>
        %parallel_loop3A_480 = vector.broadcast %scan3A_32 : f32 to vector<16xf32>
        %parallel_loop3A_481 = arith.mulf %parallel_loop3A_479, %parallel_loop3A_480 : vector<16xf32>
        %parallel_loop3A_482 = arith.addf %parallel_loop3A_481, %get3A_386 : vector<16xf32>
        %parallel_loop3A_483 = arith.index_cast %parallel_loop3A_403 : i32 to index
        %parallel_loop3A_484 = arith.constant 96 : index
        %parallel_loop3A_485 = tpu.vector_load %arg12[%parallel_loop3A_483, %parallel_loop3A_484] {strides = array<i32>} : memref<128x128xf32, #tpu.memory_space<vmem>>, vector<1x16xf32>,
        %parallel_loop3A_486 = vector.shape_cast %parallel_loop3A_485 : vector<1x16xf32> to vector<16xf32>
        %parallel_loop3A_487 = vector.shape_cast %parallel_loop3A_482 : vector<16xf32> to vector<1x16xf32>
        tpu.vector_store %arg12[%parallel_loop3A_483, %parallel_loop3A_484], %parallel_loop3A_487 {strides = array<i32>} : memref<128x128xf32, #tpu.memory_space<vmem>>, vector<1x16xf32>,
        %parallel_loop3A_488 = arith.index_cast %parallel_loop3A_403 : i32 to index
        %parallel_loop3A_489 = arith.constant 112 : index
        %parallel_loop3A_490 = tpu.vector_load %arg12[%parallel_loop3A_488, %parallel_loop3A_489] {strides = array<i32>} : memref<128x128xf32, #tpu.memory_space<vmem>>, vector<1x16xf32>,
        %parallel_loop3A_491 = vector.shape_cast %parallel_loop3A_490 : vector<1x16xf32> to vector<16xf32>
        %parallel_loop3A_492 = vector.broadcast %scan3A_32 : f32 to vector<16xf32>
        %parallel_loop3A_493 = arith.mulf %parallel_loop3A_491, %parallel_loop3A_492 : vector<16xf32>
        %parallel_loop3A_494 = arith.addf %parallel_loop3A_493, %get3A_390 : vector<16xf32>
        %parallel_loop3A_495 = arith.index_cast %parallel_loop3A_403 : i32 to index
        %parallel_loop3A_496 = arith.constant 112 : index
        %parallel_loop3A_497 = tpu.vector_load %arg12[%parallel_loop3A_495, %parallel_loop3A_496] {strides = array<i32>} : memref<128x128xf32, #tpu.memory_space<vmem>>, vector<1x16xf32>,
        %parallel_loop3A_498 = vector.shape_cast %parallel_loop3A_497 : vector<1x16xf32> to vector<16xf32>
        %parallel_loop3A_499 = vector.shape_cast %parallel_loop3A_494 : vector<16xf32> to vector<1x16xf32>
        tpu.vector_store %arg12[%parallel_loop3A_495, %parallel_loop3A_496], %parallel_loop3A_499 {strides = array<i32>} : memref<128x128xf32, #tpu.memory_space<vmem>>, vector<1x16xf32>,
      } {sc.loop_unroll_factor = 2 : i64, sc.parallel_access}
      %dma_start3A_394 = arith.constant 4 : i32
      %dma_start3A_395 = arith.constant 0 : i32
      %dma_start3A_396 = tpu.memref_slice %arg5[%add3A_342, %mul3A_2, %dma_start3A_395] : memref<50x4096x128xf32, #tpu.memory_space<hbm>> -> memref<1x128x128xf32, #tpu.memory_space<hbm>>
      %dma_start3A_397 = tpu.memref_squeeze %dma_start3A_396 : memref<1x128x128xf32, #tpu.memory_space<hbm>> -> memref<128x128xf32, #tpu.memory_space<hbm>>
      %dma_start3A_398 = tpu.memref_slice %arg14[%dma_start3A_394] : memref<5x!tpu.dma_semaphore, #tpu.memory_space<semaphore_mem>> -> memref<1x!tpu.dma_semaphore, #tpu.memory_space<semaphore_mem>>
      %dma_start3A_399 = tpu.memref_squeeze %dma_start3A_398 : memref<1x!tpu.dma_semaphore, #tpu.memory_space<semaphore_mem>> -> memref<!tpu.dma_semaphore, #tpu.memory_space<semaphore_mem>>
      %dma_start3A_400 = arith.constant 0 : i32
      %dma_start3A_401 = tpu.memref_slice %arg5[%add3A_342, %mul3A_2, %dma_start3A_400] : memref<50x4096x128xf32, #tpu.memory_space<hbm>> -> memref<1x128x128xf32, #tpu.memory_space<hbm>>
      %dma_start3A_402 = tpu.memref_squeeze %dma_start3A_401 : memref<1x128x128xf32, #tpu.memory_space<hbm>> -> memref<128x128xf32, #tpu.memory_space<hbm>>
      tpu.enqueue_dma source(%arg12 : memref<128x128xf32, #tpu.memory_space<vmem>>) target(%dma_start3A_402 : memref<128x128xf32, #tpu.memory_space<hbm>>) target_semaphore(%dma_start3A_399 : memref<!tpu.dma_semaphore, #tpu.memory_space<semaphore_mem>>)
    }
    %scan3A_37 = arith.constant 10 : i32
    %dma_wait3A = arith.constant 45 : i32
    %dma_wait3A_38 = arith.constant 0 : i32
    %dma_wait3A_39 = arith.constant 0 : i32
    %dma_wait3A_40 = tpu.memref_slice %arg5[%dma_wait3A, %mul3A_2, %dma_wait3A_39] : memref<50x4096x128xf32, #tpu.memory_space<hbm>> -> memref<1x128x128xf32, #tpu.memory_space<hbm>>
    %dma_wait3A_41 = tpu.memref_squeeze %dma_wait3A_40 : memref<1x128x128xf32, #tpu.memory_space<hbm>> -> memref<128x128xf32, #tpu.memory_space<hbm>>
    %dma_wait3A_42 = tpu.memref_slice %arg14[%dma_wait3A_38] : memref<5x!tpu.dma_semaphore, #tpu.memory_space<semaphore_mem>> -> memref<1x!tpu.dma_semaphore, #tpu.memory_space<semaphore_mem>>
    %dma_wait3A_43 = tpu.memref_squeeze %dma_wait3A_42 : memref<1x!tpu.dma_semaphore, #tpu.memory_space<semaphore_mem>> -> memref<!tpu.dma_semaphore, #tpu.memory_space<semaphore_mem>>
    %dma_wait3A_44 = arith.constant 0 : i32
    %dma_wait3A_45 = tpu.memref_slice %arg5[%dma_wait3A, %mul3A_2, %dma_wait3A_44] : memref<50x4096x128xf32, #tpu.memory_space<hbm>> -> memref<1x128x128xf32, #tpu.memory_space<hbm>>
    %dma_wait3A_46 = tpu.memref_squeeze %dma_wait3A_45 : memref<1x128x128xf32, #tpu.memory_space<hbm>> -> memref<128x128xf32, #tpu.memory_space<hbm>>
    tpu.wait_dma2 semaphore(%dma_wait3A_43 : memref<!tpu.dma_semaphore, #tpu.memory_space<semaphore_mem>>) src(%arg8 : memref<128x128xf32, #tpu.memory_space<vmem>>) dst(%dma_wait3A_46 : memref<128x128xf32, #tpu.memory_space<hbm>>)
    %dma_wait3A_47 = arith.constant 46 : i32
    %dma_wait3A_48 = arith.constant 1 : i32
    %dma_wait3A_49 = arith.constant 0 : i32
    %dma_wait3A_50 = tpu.memref_slice %arg5[%dma_wait3A_47, %mul3A_2, %dma_wait3A_49] : memref<50x4096x128xf32, #tpu.memory_space<hbm>> -> memref<1x128x128xf32, #tpu.memory_space<hbm>>
    %dma_wait3A_51 = tpu.memref_squeeze %dma_wait3A_50 : memref<1x128x128xf32, #tpu.memory_space<hbm>> -> memref<128x128xf32, #tpu.memory_space<hbm>>
    %dma_wait3A_52 = tpu.memref_slice %arg14[%dma_wait3A_48] : memref<5x!tpu.dma_semaphore, #tpu.memory_space<semaphore_mem>> -> memref<1x!tpu.dma_semaphore, #tpu.memory_space<semaphore_mem>>
    %dma_wait3A_53 = tpu.memref_squeeze %dma_wait3A_52 : memref<1x!tpu.dma_semaphore, #tpu.memory_space<semaphore_mem>> -> memref<!tpu.dma_semaphore, #tpu.memory_space<semaphore_mem>>
    %dma_wait3A_54 = arith.constant 0 : i32
    %dma_wait3A_55 = tpu.memref_slice %arg5[%dma_wait3A_47, %mul3A_2, %dma_wait3A_54] : memref<50x4096x128xf32, #tpu.memory_space<hbm>> -> memref<1x128x128xf32, #tpu.memory_space<hbm>>
    %dma_wait3A_56 = tpu.memref_squeeze %dma_wait3A_55 : memref<1x128x128xf32, #tpu.memory_space<hbm>> -> memref<128x128xf32, #tpu.memory_space<hbm>>
    tpu.wait_dma2 semaphore(%dma_wait3A_53 : memref<!tpu.dma_semaphore, #tpu.memory_space<semaphore_mem>>) src(%arg9 : memref<128x128xf32, #tpu.memory_space<vmem>>) dst(%dma_wait3A_56 : memref<128x128xf32, #tpu.memory_space<hbm>>)
    %dma_wait3A_57 = arith.constant 47 : i32
    %dma_wait3A_58 = arith.constant 2 : i32
    %dma_wait3A_59 = arith.constant 0 : i32
    %dma_wait3A_60 = tpu.memref_slice %arg5[%dma_wait3A_57, %mul3A_2, %dma_wait3A_59] : memref<50x4096x128xf32, #tpu.memory_space<hbm>> -> memref<1x128x128xf32, #tpu.memory_space<hbm>>
    %dma_wait3A_61 = tpu.memref_squeeze %dma_wait3A_60 : memref<1x128x128xf32, #tpu.memory_space<hbm>> -> memref<128x128xf32, #tpu.memory_space<hbm>>
    %dma_wait3A_62 = tpu.memref_slice %arg14[%dma_wait3A_58] : memref<5x!tpu.dma_semaphore, #tpu.memory_space<semaphore_mem>> -> memref<1x!tpu.dma_semaphore, #tpu.memory_space<semaphore_mem>>
    %dma_wait3A_63 = tpu.memref_squeeze %dma_wait3A_62 : memref<1x!tpu.dma_semaphore, #tpu.memory_space<semaphore_mem>> -> memref<!tpu.dma_semaphore, #tpu.memory_space<semaphore_mem>>
    %dma_wait3A_64 = arith.constant 0 : i32
    %dma_wait3A_65 = tpu.memref_slice %arg5[%dma_wait3A_57, %mul3A_2, %dma_wait3A_64] : memref<50x4096x128xf32, #tpu.memory_space<hbm>> -> memref<1x128x128xf32, #tpu.memory_space<hbm>>
    %dma_wait3A_66 = tpu.memref_squeeze %dma_wait3A_65 : memref<1x128x128xf32, #tpu.memory_space<hbm>> -> memref<128x128xf32, #tpu.memory_space<hbm>>
    tpu.wait_dma2 semaphore(%dma_wait3A_63 : memref<!tpu.dma_semaphore, #tpu.memory_space<semaphore_mem>>) src(%arg10 : memref<128x128xf32, #tpu.memory_space<vmem>>) dst(%dma_wait3A_66 : memref<128x128xf32, #tpu.memory_space<hbm>>)
    %dma_wait3A_67 = arith.constant 48 : i32
    %dma_wait3A_68 = arith.constant 3 : i32
    %dma_wait3A_69 = arith.constant 0 : i32
    %dma_wait3A_70 = tpu.memref_slice %arg5[%dma_wait3A_67, %mul3A_2, %dma_wait3A_69] : memref<50x4096x128xf32, #tpu.memory_space<hbm>> -> memref<1x128x128xf32, #tpu.memory_space<hbm>>
    %dma_wait3A_71 = tpu.memref_squeeze %dma_wait3A_70 : memref<1x128x128xf32, #tpu.memory_space<hbm>> -> memref<128x128xf32, #tpu.memory_space<hbm>>
    %dma_wait3A_72 = tpu.memref_slice %arg14[%dma_wait3A_68] : memref<5x!tpu.dma_semaphore, #tpu.memory_space<semaphore_mem>> -> memref<1x!tpu.dma_semaphore, #tpu.memory_space<semaphore_mem>>
    %dma_wait3A_73 = tpu.memref_squeeze %dma_wait3A_72 : memref<1x!tpu.dma_semaphore, #tpu.memory_space<semaphore_mem>> -> memref<!tpu.dma_semaphore, #tpu.memory_space<semaphore_mem>>
    %dma_wait3A_74 = arith.constant 0 : i32
    %dma_wait3A_75 = tpu.memref_slice %arg5[%dma_wait3A_67, %mul3A_2, %dma_wait3A_74] : memref<50x4096x128xf32, #tpu.memory_space<hbm>> -> memref<1x128x128xf32, #tpu.memory_space<hbm>>
    %dma_wait3A_76 = tpu.memref_squeeze %dma_wait3A_75 : memref<1x128x128xf32, #tpu.memory_space<hbm>> -> memref<128x128xf32, #tpu.memory_space<hbm>>
    tpu.wait_dma2 semaphore(%dma_wait3A_73 : memref<!tpu.dma_semaphore, #tpu.memory_space<semaphore_mem>>) src(%arg11 : memref<128x128xf32, #tpu.memory_space<vmem>>) dst(%dma_wait3A_76 : memref<128x128xf32, #tpu.memory_space<hbm>>)
    %dma_wait3A_77 = arith.constant 49 : i32
    %dma_wait3A_78 = arith.constant 4 : i32
    %dma_wait3A_79 = arith.constant 0 : i32
    %dma_wait3A_80 = tpu.memref_slice %arg5[%dma_wait3A_77, %mul3A_2, %dma_wait3A_79] : memref<50x4096x128xf32, #tpu.memory_space<hbm>> -> memref<1x128x128xf32, #tpu.memory_space<hbm>>
    %dma_wait3A_81 = tpu.memref_squeeze %dma_wait3A_80 : memref<1x128x128xf32, #tpu.memory_space<hbm>> -> memref<128x128xf32, #tpu.memory_space<hbm>>
    %dma_wait3A_82 = tpu.memref_slice %arg14[%dma_wait3A_78] : memref<5x!tpu.dma_semaphore, #tpu.memory_space<semaphore_mem>> -> memref<1x!tpu.dma_semaphore, #tpu.memory_space<semaphore_mem>>
    %dma_wait3A_83 = tpu.memref_squeeze %dma_wait3A_82 : memref<1x!tpu.dma_semaphore, #tpu.memory_space<semaphore_mem>> -> memref<!tpu.dma_semaphore, #tpu.memory_space<semaphore_mem>>
    %dma_wait3A_84 = arith.constant 0 : i32
    %dma_wait3A_85 = tpu.memref_slice %arg5[%dma_wait3A_77, %mul3A_2, %dma_wait3A_84] : memref<50x4096x128xf32, #tpu.memory_space<hbm>> -> memref<1x128x128xf32, #tpu.memory_space<hbm>>
    %dma_wait3A_86 = tpu.memref_squeeze %dma_wait3A_85 : memref<1x128x128xf32, #tpu.memory_space<hbm>> -> memref<128x128xf32, #tpu.memory_space<hbm>>
    tpu.wait_dma2 semaphore(%dma_wait3A_83 : memref<!tpu.dma_semaphore, #tpu.memory_space<semaphore_mem>>) src(%arg12 : memref<128x128xf32, #tpu.memory_space<vmem>>) dst(%dma_wait3A_86 : memref<128x128xf32, #tpu.memory_space<hbm>>)
    return
  }
}

</mosaic_0001>

<sc_bundles>
// kernel: kernel.3.cloned.1.call-start
scs
__scs_entry_jumppad:
0x0: {  	(pc) =	sbr.rel $0x88, $3  }
0x1: {  	(tag) =	ssettag $0x0;
	lr =	simm.s32 $0x1  }
0x2: {  	[smem:$0x3F9E] =	sst lr;
	_ =	strace $0xD0000000  }
0x3: {  	_ = 	snop  }
0x4: {  	_ = 	snop  }
0x5: {  	_ = 	snop  }
0x6: {  	_ = 	snop  }
0x7: {  	_ = 	snop  }
__scs_overlays_trampoline_lowered:
0x8: {  	[smem:$0x3FAD] =	sst s0  }
0x9: {  	[smem:$0x3FAE] =	sst s1  }
0xa: {  	[smem:$0x3FAF] =	sst s2  }
0xb: {  	[smem:$0x3FB0] =	sst s3  }
0xc: {  	[smem:$0x3FB1] =	sst s4  }
0xd: {  	[smem:$0x3FB2] =	sst s5  }
0xe: {  	[smem:$0x3FB3] =	sst s6  }
0xf: {  	[smem:$0x3FB4] =	sst s7  }
0x10: {  	[smem:$0x3FB5] =	sst s8  }
0x11: {  	[smem:$0x3FB6] =	sst s9;
	s0 =	simm.s32 @!p0 $0x0  }
0x12: {  	s1 =	sld [smem:$0x3F9C];
	s0 =	simm.s32 @p0 $0x1  }
0x13: {  	[smem:$0x3FB7] =	sst s0;
	s0 =	simm.s32 @!p1 $0x0  }
0x14: {  	s2 =	sld [smem:$0x3F9B];
	s0 =	simm.s32 @p1 $0x1  }
0x15: {  	[smem:$0x3FB8] =	sst s0;
	s0 =	simm.s32 @!p2 $0x0  }
0x16: {  	s3 =	sld [smem:$0x3FDB];
	s0 =	simm.s32 @p2 $0x1  }
0x17: {  	s4 =	simm.s32 $0x1BF5;
	[smem:$0x3FBA] =	sst s0  }
0x18: {  	s0 =	sld [smem:$0x3F9D];
	_ =	swait.ge [sflag:s4], $0x0  }
0x19: {  	s7 =	sld [smem:$0x3F9E]  }
0x1a: {  	s8 =	sadd.s32 $0xFFFFE003, lr  }
0x1b: {  	s9 =	sadd.s32 $0xFFFFFEF7, lr;
	s5 =	simm.s32 $0xFFFFFFFF;
	p2 =	slt.u32 s8, $0xFFFFF086  }
0x1c: {  	p1 =	slt.u32 s9, $0xF7A;
	s5 =	simm.s32 @!p2 $0x0  }
0x1d: {  	s5 =	simm.s32 @p1 $0x1;
	p0 =	seq.s32 s7, s2  }
0x1e: {  	s7 =	smul.u32 @!p0 $0xF7A, s2;
	p2 =	seq.s32 @!p0 s5, $0x0  }
0x1f: {  	s9 =	smul.u32 $0xF7A, s1;
	s8 =	simm.s32 @!p0 $0x1BF5;
	p2 =	por !p2, p0  }
0x20: {  	[sflag:s8] =	ssyncset.s32 @!p0 $0xFFFFF086;
	s6 =	sadd.s32 @!p0 s3, s7;
	s7 =	simm.s32 @!p0 $0x108  }
0x21: {  	s3 =	sadd.s32 s3, s9;
	s6 =	sadd.s32 @!p0 $0x88, s6;
	s7 =	simm.s32 @p2 $0x1082  }
0x22: {  	[simem:s7], [sflag:s8] =	dma.local @!p0 [hbm:s6], $0xF7A  }
0x23: {  	s9 =	sor.u32 $0xD0000000, s2;
	s6 =	simm.s32 $0x108;
	_ =	swait.ge @!p0 [sflag:s8], $0x0  }
0x24: {  	s3 =	sadd.s32 $0x88, s3;
	s6 =	simm.s32 @!p1 $0x1082;
	[sflag:s4] =	ssyncset.s32 $0xFFFFF086  }
0x25: {  	[simem:s6], [sflag:s4] =	dma.local [hbm:s3], $0xF7A  }
0x26: {  	[smem:$0x3F9E] =	sst s1;
	(tag) =	ssettag s2;
	_ =	strace s9  }
0x27: {  	s1 =	sld [smem:$0x3FAE]  }
0x28: {  	s2 =	sld [smem:$0x3FAF]  }
0x29: {  	s4 =	sld [smem:$0x3FB1]  }
0x2a: {  	p0 =	seq.s32 s5, $0x0;
	s5 =	sld [smem:$0x3FB2]  }
0x2b: {  	s6 =	sld [smem:$0x3FB3]  }
0x2c: {  	s7 =	sld [smem:$0x3FB4]  }
0x2d: {  	s3 =	simm.s32 $0x108;
	s8 =	sld [smem:$0x3FB5]  }
0x2e: {  	s3 =	simm.s32 @!p0 $0x1082;
	s9 =	sld [smem:$0x3FB6]  }
0x2f: {  	lr =	sadd.s32 s0, s3;
	s0 =	sld [smem:$0x3FAD]  }
0x30: {  	s3 =	sld [smem:$0x3FB0]  }
0x31: {  	[smem:$0x3FB9] =	sst s10  }
0x32: {  	s10 =	sld [smem:$0x3FB7];
	_ =	sdelay $0x3  }
0x33: {  	p0 =	seq.s32 s10, $0x1;
	s10 =	sld [smem:$0x3FB9];
	_ =	sdelay $0x3  }
0x34: {  	[smem:$0x3FB9] =	sst s10  }
0x35: {  	s10 =	sld [smem:$0x3FB8];
	_ =	sdelay $0x3  }
0x36: {  	p1 =	seq.s32 s10, $0x1;
	s10 =	sld [smem:$0x3FB9];
	_ =	sdelay $0x3  }
0x37: {  	[smem:$0x3FB9] =	sst s10  }
0x38: {  	s10 =	sld [smem:$0x3FBA]  }
0x39: {  	_ = 	snop;
	(pc) =	sbr.ind lr, $3  }
0x3a: {  	_ = 	snop  }
0x3b: {  	_ = 	snop  }
0x3c: {  	p2 =	seq.s32 s10, $0x1;
	s10 =	sld [smem:$0x3FB9]  }
0x3d: {  	_ =	shalt  }
0x3e: {  	_ =	shalt  }
0x3f: {  	_ =	shalt  }
0x40: {  	_ =	shalt  }
0x41: {  	_ =	shalt  }
0x42: {  	_ =	shalt  }
0x43: {  	_ =	shalt  }
0x44: {  	_ =	shalt  }
0x45: {  	_ =	shalt  }
0x46: {  	_ =	shalt  }
0x47: {  	_ =	shalt  }
0x48: {  	_ =	shalt  }
0x49: {  	_ =	shalt  }
0x4a: {  	_ =	shalt  }
0x4b: {  	_ =	shalt  }
0x4c: {  	_ =	shalt  }
0x4d: {  	_ =	shalt  }
0x4e: {  	_ =	shalt  }
0x4f: {  	_ =	shalt  }
0x50: {  	_ =	shalt  }
0x51: {  	_ =	shalt  }
0x52: {  	_ =	shalt  }
0x53: {  	_ =	shalt  }
0x54: {  	_ =	shalt  }
0x55: {  	_ =	shalt  }
0x56: {  	_ =	shalt  }
0x57: {  	_ =	shalt  }
0x58: {  	_ =	shalt  }
0x59: {  	_ =	shalt  }
0x5a: {  	_ =	shalt  }
0x5b: {  	_ =	shalt  }
0x5c: {  	_ =	shalt  }
0x5d: {  	_ =	shalt  }
0x5e: {  	_ =	shalt  }
0x5f: {  	_ =	shalt  }
0x60: {  	_ =	shalt  }
0x61: {  	_ =	shalt  }
0x62: {  	_ =	shalt  }
0x63: {  	_ =	shalt  }
0x64: {  	_ =	shalt  }
0x65: {  	_ =	shalt  }
0x66: {  	_ =	shalt  }
0x67: {  	_ =	shalt  }
0x68: {  	_ =	shalt  }
0x69: {  	_ =	shalt  }
0x6a: {  	_ =	shalt  }
0x6b: {  	_ =	shalt  }
0x6c: {  	_ =	shalt  }
0x6d: {  	_ =	shalt  }
0x6e: {  	_ =	shalt  }
0x6f: {  	_ =	shalt  }
0x70: {  	_ =	shalt  }
0x71: {  	_ =	shalt  }
0x72: {  	_ =	shalt  }
0x73: {  	_ =	shalt  }
0x74: {  	_ =	shalt  }
0x75: {  	_ =	shalt  }
0x76: {  	_ =	shalt  }
0x77: {  	_ =	shalt  }
0x78: {  	_ =	shalt  }
0x79: {  	_ =	shalt  }
0x7a: {  	_ =	shalt  }
0x7b: {  	_ =	shalt  }
0x7c: {  	_ =	shalt  }
0x7d: {  	_ =	shalt  }
0x7e: {  	_ =	shalt  }
0x7f: {  	_ =	shalt  }
0x80: {  	_ =	shalt  }
0x81: {  	_ =	shalt  }
0x82: {  	_ =	shalt  }
0x83: {  	_ =	shalt  }
0x84: {  	_ =	shalt  }
0x85: {  	_ =	shalt  }
0x86: {  	_ =	shalt  }
0x87: {  	_ =	shalt  }
.Lfunc_end0:
.L_simem_size_0:
called_computation_lowered:
.L_overlay_start_0:
0x88: {  	s2 =	sld [smem:$0x3FD9]  }
0x89: {  	s3 =	sld [smem:$0x3FFE];
	_ =	sdelay $0x1  }
0x8a: {  	s1 =	srdreg.scid  }
0x8b: {  	s0 =	sand.u32 $0x1, s1  }
0x8c: {  	s17 =	sshll.u32 s0, $0xA;
	s2 =	sadd.s32 s3, s2  }
0x8d: {  	s2 =	sadd.s32 s2, s17  }
0x8e: {  	[smem:$0x3FC5] =	sst s2  }
0x8f: {  	_ = 	snop  }
0x90: {  	s2 =	sld [smem:$0x3FC9]  }
0x91: {  	s18 =	sld [smem:$0x3FC8]  }
0x92: {  	s4 =	sld [smem:$0x3FD0];
	(tm) =	ssettm $0x1  }
0x93: {  	s5 =	sld [smem:$0x3FFB];
	_ =	sdelay $0x3  }
0x94: {  	_ =	strace s5  }
0x95: {  	s5 =	sld [smem:$0x3FFC];
	_ =	sdelay $0x3  }
0x96: {  	_ =	strace s5  }
0x97: {  	s5 =	sld [smem:$0x3FFD];
	_ =	sdelay $0x3  }
0x98: {  	_ =	strace s5  }
0x99: {  	_ =	strace $0x8FFFFFFF  }
0x9a: {  	s19 =	sld [smem:$0x3FDB];
	_ =	sdelay $0x1  }
0x9b: {  	s6 =	simm.s32 $_scs_section_size  }
0x9c: {  	s7 =	simm.s32 $_size__tile_overlayer_lowered;
	s8 =	simm.s32 $_tile_overlayer_lowered  }
0x9d: {  	s22 =	simm.s32 $0x1BFF;
	s21 =	sshll.u32 s8, $0x1;
	s5 =	sadd.s32 s6, s19  }
0x9e: {  	s9 =	simm.s32 $0x0;
	s20 =	sshll.u32 s7, $0x1;
	s7 =	sadd.s32 s21, s5  }
0x9f: {  	[timem:s9], [sflag:s22] =	dma.local [hbm:s7], s20  }
0xa0: {  	_ =	swait.ge [sflag:s22], s20  }
0xa1: {  	s6 =	ssub.s32 $0x0, s20;
	[sflag:s22] =	ssyncset.done $0x0  }
0xa2: {  	[sflag:s22] =	ssyncadd.s32 s6;
	_ =	sdelay $0x1  }
0xa3: {  	s23 =	simm.s32 $0x1B8B  }
0xa4: {  	_ =	swait.ge [sflag:s23], $0x1  }
0xa5: {  	[sflag:s23] =	ssyncset.done $0x0  }
0xa6: {  	s25 =	simm.s32 $0x1B8E;
	s24 =	sld [smem:$0x3FFE];
	[sflag:s23] =	ssyncadd.s32 $0xFFFFFFFF  }
0xa7: {  	s26 =	simm.s32 $execute0_lowered;
	[smem:$0x3FD2] =	sst s25  }
0xa8: {  	s7 =	sshll.u32 s26, $0x1;
	_ =	strace $0x80000046;
	[dreg:$0x1] =	wrdreg $0xFFFFFFFF  }
0xa9: {  	s28 =	simm.s32 $_size_execute0_lowered;
	s5 =	sadd.s32 s5, s7;
	[dreg:$0x0] =	wrdreg $0x0  }
0xaa: {  	s7 =	sshll.u32 s28, $0x1;
	[dreg:$0x2] =	wrdreg s5  }
0xab: {  	[dreg:$0x3] =	wrdreg s7  }
0xac: {  	[dreg:$0x4] =	wrdreg $0xC0  }
0xad: {  	_ =	task [dreg:s9], $0x5FFFF  }
0xae: {  	[dreg:$0x1] =	wrdreg $0xFFFFFFFF  }
0xaf: {  	[dreg:$0x0] =	wrdreg $0x60  }
0xb0: {  	[dreg:$0x2] =	wrdreg s2  }
0xb1: {  	[dreg:$0x3] =	wrdreg s18  }
0xb2: {  	[dreg:$0x4] =	wrdreg s24  }
0xb3: {  	[dreg:$0x5] =	wrdreg s4  }
0xb4: {  	[dreg:$0x6] =	wrdreg $0x9  }
0xb5: {  	_ =	task.clear_ibuf [dreg:s9], $0x7FFFF;
	_ =	strace $0x90000046  }
0xb6: {  	s29 =	simm.s32 $0x9;
	_ =	strace $0x80000048  }
0xb7: {  	_ =	swait.ge [sflag:s29], $0x1  }
0xb8: {  	[sflag:s29] =	ssyncadd.s32 $0xFFFFFFFF  }
0xb9: {  	_ =	strace $0x90000048  }
0xba: {  	_ =	sfence  }
0xbb: {  	s30 =	sld [smem:$0x0];
	_ =	sdelay $0x2  }
0xbc: {  	s31 =	sshll.u32 s1, $0xD;
	s1 =	sshrl.u32 s1, $0x2  }
0xbd: {  	s3 =	sand.u32 $0x4000, s31;
	s1 =	sadd.s32 s1, s30  }
0xbe: {  	s0 =	sor.u32 s3, s0;
	s1 =	sshll.u32 s1, $0x11  }
0xbf: {  	s0 =	sor.u32 s1, s0  }
0xc0: {  	s0 =	sadd.s32 $0x8F2B, s0  }
0xc1: {  	[sflag:s0] =	ssyncadd.remote.s32 $0x1  }
0xc2: {  	_ =	sfence.sel $0xFFFF  }
0xc3: {  	[dreg:$0x0] =	wrdreg $0xFFFFFFFF;
	(pc) =	sbr.abs _section_cstart, $3  }
0xc4: {  	[dreg:$0x1] =	wrdreg $0xFFFFFFFF  }
0xc5: {  	_ =	task.clear_ibuf [dreg:s9], $0x2FFFF;
	_ =	strace $0x9FFFFFFF  }
0xc6: {  	(tm) =	ssettm $0x7FFFFFFF  }
0xc7: {  	_ =	shalt  }
tec
execute0_lowered:
.L_overlay_start_1:
0x0: {  	(tag) =	ssettag $0x1  }
0x1: {  	s0 =	rddreg [dreg:$0x0]  }
0x2: {  	s1 =	rddreg [dreg:$0x1]  }
0x3: {  	s2 =	rddreg [dreg:$0x2]  }
0x4: {  	s3 =	rddreg [dreg:$0x3];
	s5 =	srdreg.scid  }
0x5: {  	s4 =	simm.s32 $0x0;
	s6 =	stileid.u32;
	s13 =	simm.s32 $0xB  }
0x6: {  	s15 =	simm.s32 $0x80;
	s16 =	simm.s32 $0x3800;
	s17 =	simm.s32 $0x7800  }
0x7: {  	s19 =	simm.s32 $0xB800;
	s20 =	simm.s32 $0xF800;
	s21 =	simm.s32 $0x1  }
0x8: {  	s22 =	simm.s32 $0x13800;
	s23 =	simm.s32 $0x2;
	s24 =	simm.s32 $0x3  }
0x9: {  	s25 =	simm.s32 $0x4;
	s30 =	simm.s32 $0x8;
	s31 =	simm.s32 $0x9  }
0xa: {  	s5 =	sand.u32 $0x1, s5;
	[smem:$0x7FF] =	sst s4;
	s6 =	sshll.u32 s6, $0x8  }
0xb: {  	s2 =	sadd.s32 $0x400, s2;
	s7 =	sshll.u32 s5, $0x7;
	_ =	strace $0x80000047  }
0xc: {  	s5 =	ssub.s32 $0x2, s5;
	[dreg:$0x5] =	wrdreg s2;
	s6 =	sor.u32 s7, s6  }
0xd: {  	s2 =	simm.s32 $0x0;
	s26 =	sshrl.u32 s5, $0x1;
	s7 =	sadd.s32 s0, s6  }
0xe: {  	s28 =	ssub.s32 s5, s26;
	[dreg:$0x6] =	wrdreg s7;
	s29 =	sadd.s32 $0x6000, s7  }
0xf: {  	s8 =	sshll.u32 s6, $0x7;
	s0 =	smax.u32 s28, $0x1;
	[dreg:$0x7] =	wrdreg s29  }
0x10: {  	s26 =	simm.s32 $0x5;
	[dreg:$0x8] =	wrdreg s0;
	s0 =	simm.s32 $0xA  }
.LBB2_1:
0x11: {  	s5 =	rddreg [dreg:$0x6];
	s6 =	simm.s32 $0x400;
	s7 =	simm.s32 $0x8000  }
0x12: {  	[tilespmem:s4], [sflag:$0xB] =	stream.strided.gather [hbm4b:s5+s6], $0x1800, s7, s6, $0x38;
	[tilespmem:$0x17800] =	vst v63  }
0x13: {  	s12 =	rddreg [dreg:$0x7];
	s14 =	simm.s32 $0x1800  }
0x14: {  	[tilespmem:s14], [sflag:$0xB] =	stream.linear.gather [hbm4b:s12+s4], $0x100, $0x38;
	[tilespmem:$0x17800] =	vst v63  }
0x15: {  	_ =	swait.ge [sflag:s13], $0x1900  }
0x16: {  	[sflag:s13] =	ssyncset.done $0x0  }
0x17: {  	s28 =	simm.s32 $0x1C00;
	s18 =	rddreg [dreg:$0x5];
	[sflag:s13] =	ssyncadd.s32 $0xFFFFE700  }
0x18: {  	[tilespmem:s28], [sflag:$0xB] =	stream.linear.gather [hbm4b:s18+s4], $0x1900, $0x38;
	[tilespmem:$0x17800] =	vst v63  }
0x19: {  	_ =	swait.ge [sflag:s13], $0x1900  }
0x1a: {  	[sflag:s13] =	ssyncset.done $0x0  }
0x1b: {  	[sflag:s13] =	ssyncadd.s32 $0xFFFFE700  }
0x1c: {  	[tilespmem:s16], [sflag:$0x1] =	stream.indirect.gather [hbm4b:s1+s15], $0x80, s4, s15, $0xb8;
	[tilespmem:$0x17800] =	vst v63  }
0x1d: {  	_ = 	snop  }
0x1e: {  	[tilespmem:s17], [sflag:$0x2] =	stream.indirect.gather [hbm4b:s1+s15], $0x80, s15, s15, $0xb8;
	[tilespmem:$0x17800] =	vst v63  }
0x1f: {  	s29 =	simm.s32 $0x100;
	s10 =	simm.s32 $0x0  }
0x20: {  	[tilespmem:s19], [sflag:$0x3] =	stream.indirect.gather [hbm4b:s1+s15], $0x80, s29, s15, $0xb8;
	[tilespmem:$0x17800] =	vst v63  }
.LBB2_2:
0x21: {  	s5 =	smul.u32 $0x5, s10;
	p0 =	seq.s32 s10, $0x0  }
0x22: {  	s6 =	simm.s32 @!p0 $0x9  }
0x23: {  	s11 =	sadd.s32 $0x3, s5;
	_ =	swait.ge @!p0 [sflag:s6], $0x4000  }
0x24: {  	[sflag:s6] =	ssyncset.done @!p0 $0x0;
	s7 =	sshll.u32 s11, $0x9  }
0x25: {  	[sflag:s6] =	ssyncadd.s32 @!p0 $0xFFFFC000;
	s14 =	sshrl.u32 s7, $0x2  }
0x26: {  	[tilespmem:s20], [sflag:$0x4] =	stream.indirect.gather [hbm4b:s1+s15], $0x80, s14, s15, $0xb8;
	[tilespmem:$0x17800] =	vst v63  }
0x27: {  	s7 =	smul.u32 $0xA00, s10;
	_ =	swait.ge [sflag:s21], $0x4000  }
0x28: {  	[sflag:s21] =	ssyncset.done $0x0  }
0x29: {  	s29 =	sshra.s32 s7, $0x2;
	[sflag:s21] =	ssyncadd.s32 $0xFFFFC000  }
0x2a: {  	v0 =	vld [tilespmem:s29+$0x1C00]  }
0x2b: {  	v6 =	vld [tilespmem:s29+$0x1C10]  }
0x2c: {  	v5 =	vld [tilespmem:s29+$0x1C20]  }
0x2d: {  	v4 =	vld [tilespmem:s29+$0x1C30]  }
0x2e: {  	v3 =	vld [tilespmem:s29+$0x1C40]  }
0x2f: {  	v2 =	vld [tilespmem:s29+$0x1C50]  }
0x30: {  	v1 =	vld [tilespmem:s29+$0x1C60]  }
0x31: {  	s9 =	simm.s32 $0x3880;
	v7 =	vld [tilespmem:s29+$0x1C70]  }
0x32: {  	v8 =	vld [tilespmem:s9+$0x70]  }
0x33: {  	v9 =	vld [tilespmem:s9+$0xFFFFFF90]  }
0x34: {  	v10 =	vld [tilespmem:s9+$0xFFFFFFA0]  }
0x35: {  	v11 =	vld [tilespmem:s9+$0xFFFFFFB0]  }
0x36: {  	v12 =	vld [tilespmem:s9+$0xFFFFFFC0]  }
0x37: {  	v13 =	vld [tilespmem:s9+$0xFFFFFFD0];
	v8 =	vmul.f32 $1.131370830e+01, v8  }
0x38: {  	v14 =	vld [tilespmem:s9+$0xFFFFFFE0];
	v9 =	vmul.f32 $1.131370830e+01, v9  }
0x39: {  	v15 =	vld [tilespmem:s9+$0xFFFFFFF0];
	v10 =	vmul.f32 $1.131370830e+01, v10;
	v8 =	vadd.f32 v8, v7  }
0x3a: {  	v16 =	vld [tilespmem:s9+$0x0];
	v11 =	vmul.f32 $1.131370830e+01, v11;
	v9 =	vadd.f32 v9, v6  }
0x3b: {  	v17 =	vld [tilespmem:s9+$0x10];
	v12 =	vmul.f32 $1.131370830e+01, v12;
	v10 =	vadd.f32 v10, v5;
	[tilespmem:s9+$0x70] =	vst v8  }
0x3c: {  	v18 =	vld [tilespmem:s9+$0x20];
	[tilespmem:s9+$0xFFFFFF90] =	vst v9;
	v8 =	vadd.f32 v11, v4;
	v11 =	vmul.f32 $1.131370830e+01, v13  }
0x3d: {  	v12 =	vadd.f32 v12, v3;
	[tilespmem:s9+$0xFFFFFFA0] =	vst v10;
	v13 =	vmul.f32 $1.131370830e+01, v14;
	v9 =	vld [tilespmem:s9+$0x30]  }
0x3e: {  	v14 =	vmul.f32 $1.131370830e+01, v15;
	v10 =	vld [tilespmem:s9+$0x40];
	[tilespmem:s9+$0xFFFFFFB0] =	vst v8;
	v8 =	vadd.f32 v11, v2  }
0x3f: {  	v16 =	vmul.f32 $1.131370830e+01, v16;
	[tilespmem:s9+$0xFFFFFFC0] =	vst v12;
	v15 =	vadd.f32 v13, v1;
	v11 =	vld [tilespmem:s9+$0x50]  }
0x40: {  	v12 =	vld [tilespmem:s9+$0x60];
	v13 =	vadd.f32 v14, v7;
	v14 =	vmul.f32 $1.131370830e+01, v17;
	[tilespmem:s9+$0xFFFFFFD0] =	vst v8  }
0x41: {  	s12 =	simm.s32 $0x3980;
	s6 =	simm.s32 $0x0;
	v8 =	vld [tilespmem:s9+$0xFFFFFF80];
	[tilespmem:s9+$0xFFFFFFE0] =	vst v15;
	v15 =	vadd.f32 v16, v0;
	v16 =	vmul.f32 $1.131370830e+01, v18  }
.LBB2_3:
0x42: {  	v17 =	vld [tilespmem:s12+$0x70];
	s6 =	sadd.s32 $0x2, s6;
	[tilespmem:s9+$0xFFFFFFF0] =	vst v13;
	v13 =	vadd.f32 v14, v6;
	v9 =	vmul.f32 $1.131370830e+01, v9  }
0x43: {  	v14 =	vld [tilespmem:s12+$0xFFFFFF90];
	p1 =	slt.u32 s6, $0x7E;
	[tilespmem:s9+$0x0] =	vst v15;
	v15 =	vadd.f32 v16, v5;
	v10 =	vmul.f32 $1.131370830e+01, v10  }
0x44: {  	v16 =	vld [tilespmem:s12+$0xFFFFFFA0];
	[tilespmem:s9+$0x10] =	vst v13;
	v9 =	vadd.f32 v9, v4;
	v11 =	vmul.f32 $1.131370830e+01, v11  }
0x45: {  	v13 =	vld [tilespmem:s12+$0xFFFFFFB0];
	[tilespmem:s9+$0x20] =	vst v15;
	v10 =	vadd.f32 v10, v3;
	v12 =	vmul.f32 $1.131370830e+01, v12  }
0x46: {  	v15 =	vld [tilespmem:s12+$0xFFFFFFC0];
	v8 =	vmul.f32 $1.131370830e+01, v8;
	[tilespmem:s9+$0x30] =	vst v9;
	v9 =	vadd.f32 v11, v2  }
0x47: {  	v11 =	vld [tilespmem:s12+$0xFFFFFFD0];
	v17 =	vmul.f32 $1.131370830e+01, v17;
	[tilespmem:s9+$0x40] =	vst v10;
	v10 =	vadd.f32 v12, v1  }
0x48: {  	v12 =	vmul.f32 $1.131370830e+01, v14;
	v14 =	vld [tilespmem:s12+$0xFFFFFFE0];
	v8 =	vadd.f32 v8, v0;
	[tilespmem:s9+$0x50] =	vst v9  }
0x49: {  	v9 =	vmul.f32 $1.131370830e+01, v16;
	v16 =	vld [tilespmem:s12+$0xFFFFFFF0];
	v17 =	vadd.f32 v17, v7;
	[tilespmem:s9+$0x60] =	vst v10  }
0x4a: {  	v10 =	vadd.f32 v12, v6;
	v12 =	vmul.f32 $1.131370830e+01, v13;
	v13 =	vld [tilespmem:s12+$0x0];
	[tilespmem:s9+$0xFFFFFF80] =	vst v8;
	s9 =	smov.u32 s12  }
0x4b: {  	v8 =	vadd.f32 v9, v5;
	v9 =	vmul.f32 $1.131370830e+01, v15;
	v15 =	vld [tilespmem:s12+$0x10];
	[tilespmem:s12+$0x70] =	vst v17  }
0x4c: {  	[tilespmem:s12+$0xFFFFFF90] =	vst v10;
	v10 =	vadd.f32 v12, v4;
	v11 =	vmul.f32 $1.131370830e+01, v11;
	v17 =	vld [tilespmem:s12+$0x20]  }
.Ltmp0:
0x4d: {  	[tilespmem:s12+$0xFFFFFFA0] =	vst v8;
	v8 =	vadd.f32 v9, v3;
	v12 =	vmul.f32 $1.131370830e+01, v14;
	v9 =	vld [tilespmem:s12+$0x30];
	(pc) =	sbr.rel @p1 .LBB2_3-.Ltmp0, $4  }
0x4e: {  	[tilespmem:s12+$0xFFFFFFB0] =	vst v10;
	v14 =	vadd.f32 v11, v2;
	v16 =	vmul.f32 $1.131370830e+01, v16;
	v10 =	vld [tilespmem:s12+$0x40]  }
0x4f: {  	[tilespmem:s12+$0xFFFFFFC0] =	vst v8;
	v18 =	vadd.f32 v12, v1;
	v19 =	vmul.f32 $1.131370830e+01, v13;
	v11 =	vld [tilespmem:s12+$0x50]  }
0x50: {  	[tilespmem:s12+$0xFFFFFFD0] =	vst v14;
	v13 =	vadd.f32 v16, v7;
	v14 =	vmul.f32 $1.131370830e+01, v15;
	v12 =	vld [tilespmem:s12+$0x60]  }
0x51: {  	s12 =	sadd.s32 $0x100, s12;
	v8 =	vld [tilespmem:s9+$0xFFFFFF80];
	[tilespmem:s9+$0xFFFFFFE0] =	vst v18;
	v15 =	vadd.f32 v19, v0;
	v16 =	vmul.f32 $1.131370830e+01, v17  }
0x52: {  	[tilespmem:s9+$0xFFFFFFF0] =	vst v13;
	v6 =	vadd.f32 v14, v6;
	v7 =	vmul.f32 $1.131370830e+01, v9  }
0x53: {  	[tilespmem:s9+$0x0] =	vst v15;
	v5 =	vadd.f32 v16, v5;
	v9 =	vmul.f32 $1.131370830e+01, v10  }
0x54: {  	[tilespmem:s9+$0x10] =	vst v6;
	v4 =	vadd.f32 v7, v4;
	v6 =	vmul.f32 $1.131370830e+01, v11  }
0x55: {  	[tilespmem:s9+$0x20] =	vst v5;
	v3 =	vadd.f32 v9, v3;
	v5 =	vmul.f32 $1.131370830e+01, v12  }
0x56: {  	s6 =	smul.u32 $0x280000, s10;
	v7 =	vmul.f32 $1.131370830e+01, v8;
	[tilespmem:s9+$0x30] =	vst v4;
	v2 =	vadd.f32 v6, v2  }
0x57: {  	[tilespmem:s9+$0x40] =	vst v3;
	v1 =	vadd.f32 v5, v1  }
0x58: {  	s6 =	sor.u32 s8, s6;
	v0 =	vadd.f32 v7, v0;
	[tilespmem:s9+$0x50] =	vst v2  }
0x59: {  	s6 =	sshrl.u32 s6, $0x3;
	[tilespmem:s9+$0x60] =	vst v1  }
0x5a: {  	s6 =	sadd.s32 s3, s6;
	[tilespmem:s9+$0xFFFFFF80] =	vst v0  }
0x5b: {  	[hbm4b:s6+s4] =	stream.linear.scatter [tilespmem:s16], [sflag:$0x6], $0x4000, $0x38;
	[tilespmem:$0x17800] =	vst v63  }
0x5c: {  	s6 =	simm.s32 @!p0 $0xA  }
0x5d: {  	s12 =	sadd.s32 $0x4, s5;
	_ =	swait.ge @!p0 [sflag:s6], $0x4000  }
0x5e: {  	s18 =	sshll.u32 s12, $0x9;
	[sflag:s6] =	ssyncset.done @!p0 $0x0  }
0x5f: {  	s18 =	sshrl.u32 s18, $0x2;
	[sflag:s6] =	ssyncadd.s32 @!p0 $0xFFFFC000  }
0x60: {  	[tilespmem:s22], [sflag:$0x5] =	stream.indirect.gather [hbm4b:s1+s15], $0x80, s18, s15, $0xb8;
	[tilespmem:$0x17800] =	vst v63  }
0x61: {  	s9 =	sadd.s32 $0x1, s5;
	_ =	swait.ge [sflag:s23], $0x4000  }
0x62: {  	s6 =	sshll.u32 s9, $0x7;
	[sflag:s23] =	ssyncset.done $0x0  }
0x63: {  	s6 =	sand.u32 $0x3FFFFF80, s6;
	[sflag:s23] =	ssyncadd.s32 $0xFFFFC000  }
0x64: {  	v0 =	vld [tilespmem:s6+$0x1C00]  }
0x65: {  	v6 =	vld [tilespmem:s6+$0x1C10]  }
0x66: {  	v5 =	vld [tilespmem:s6+$0x1C20]  }
0x67: {  	v4 =	vld [tilespmem:s6+$0x1C30]  }
0x68: {  	v3 =	vld [tilespmem:s6+$0x1C40]  }
0x69: {  	v2 =	vld [tilespmem:s6+$0x1C50]  }
0x6a: {  	v1 =	vld [tilespmem:s6+$0x1C60]  }
0x6b: {  	v7 =	vld [tilespmem:s6+$0x1C70];
	s6 =	simm.s32 $0x7880  }
0x6c: {  	v8 =	vld [tilespmem:s6+$0x70]  }
0x6d: {  	v9 =	vld [tilespmem:s6+$0xFFFFFF90]  }
0x6e: {  	v10 =	vld [tilespmem:s6+$0xFFFFFFA0]  }
0x6f: {  	v11 =	vld [tilespmem:s6+$0xFFFFFFB0]  }
0x70: {  	v12 =	vld [tilespmem:s6+$0xFFFFFFC0]  }
0x71: {  	v13 =	vld [tilespmem:s6+$0xFFFFFFD0];
	v8 =	vmul.f32 $1.131370830e+01, v8  }
0x72: {  	v14 =	vld [tilespmem:s6+$0xFFFFFFE0];
	v9 =	vmul.f32 $1.131370830e+01, v9  }
0x73: {  	v15 =	vld [tilespmem:s6+$0xFFFFFFF0];
	v10 =	vmul.f32 $1.131370830e+01, v10;
	v8 =	vadd.f32 v8, v7  }
0x74: {  	v16 =	vld [tilespmem:s6+$0x0];
	v11 =	vmul.f32 $1.131370830e+01, v11;
	v9 =	vadd.f32 v9, v6  }
0x75: {  	v17 =	vld [tilespmem:s6+$0x10];
	v12 =	vmul.f32 $1.131370830e+01, v12;
	v10 =	vadd.f32 v10, v5;
	[tilespmem:s6+$0x70] =	vst v8  }
0x76: {  	v18 =	vld [tilespmem:s6+$0x20];
	[tilespmem:s6+$0xFFFFFF90] =	vst v9;
	v8 =	vadd.f32 v11, v4;
	v11 =	vmul.f32 $1.131370830e+01, v13  }
0x77: {  	v12 =	vadd.f32 v12, v3;
	[tilespmem:s6+$0xFFFFFFA0] =	vst v10;
	v13 =	vmul.f32 $1.131370830e+01, v14;
	v9 =	vld [tilespmem:s6+$0x30]  }
0x78: {  	v14 =	vmul.f32 $1.131370830e+01, v15;
	v10 =	vld [tilespmem:s6+$0x40];
	[tilespmem:s6+$0xFFFFFFB0] =	vst v8;
	v8 =	vadd.f32 v11, v2  }
0x79: {  	v16 =	vmul.f32 $1.131370830e+01, v16;
	[tilespmem:s6+$0xFFFFFFC0] =	vst v12;
	v15 =	vadd.f32 v13, v1;
	v11 =	vld [tilespmem:s6+$0x50]  }
0x7a: {  	v12 =	vld [tilespmem:s6+$0x60];
	v13 =	vadd.f32 v14, v7;
	v14 =	vmul.f32 $1.131370830e+01, v17;
	[tilespmem:s6+$0xFFFFFFD0] =	vst v8  }
0x7b: {  	s28 =	simm.s32 $0x0;
	s29 =	simm.s32 $0x7980;
	v8 =	vld [tilespmem:s6+$0xFFFFFF80];
	[tilespmem:s6+$0xFFFFFFE0] =	vst v15;
	v15 =	vadd.f32 v16, v0;
	v16 =	vmul.f32 $1.131370830e+01, v18  }
.LBB2_5:
0x7c: {  	v17 =	vld [tilespmem:s29+$0x70];
	s28 =	sadd.s32 $0x2, s28;
	[tilespmem:s6+$0xFFFFFFF0] =	vst v13;
	v13 =	vadd.f32 v14, v6;
	v9 =	vmul.f32 $1.131370830e+01, v9  }
0x7d: {  	v14 =	vld [tilespmem:s29+$0xFFFFFF90];
	p0 =	slt.u32 s28, $0x7E;
	[tilespmem:s6+$0x0] =	vst v15;
	v15 =	vadd.f32 v16, v5;
	v10 =	vmul.f32 $1.131370830e+01, v10  }
0x7e: {  	v16 =	vld [tilespmem:s29+$0xFFFFFFA0];
	[tilespmem:s6+$0x10] =	vst v13;
	v9 =	vadd.f32 v9, v4;
	v11 =	vmul.f32 $1.131370830e+01, v11  }
0x7f: {  	v13 =	vld [tilespmem:s29+$0xFFFFFFB0];
	[tilespmem:s6+$0x20] =	vst v15;
	v10 =	vadd.f32 v10, v3;
	v12 =	vmul.f32 $1.131370830e+01, v12  }
0x80: {  	v15 =	vld [tilespmem:s29+$0xFFFFFFC0];
	v8 =	vmul.f32 $1.131370830e+01, v8;
	[tilespmem:s6+$0x30] =	vst v9;
	v9 =	vadd.f32 v11, v2  }
0x81: {  	v11 =	vld [tilespmem:s29+$0xFFFFFFD0];
	v17 =	vmul.f32 $1.131370830e+01, v17;
	[tilespmem:s6+$0x40] =	vst v10;
	v10 =	vadd.f32 v12, v1  }
0x82: {  	v12 =	vmul.f32 $1.131370830e+01, v14;
	v14 =	vld [tilespmem:s29+$0xFFFFFFE0];
	v8 =	vadd.f32 v8, v0;
	[tilespmem:s6+$0x50] =	vst v9  }
0x83: {  	v9 =	vmul.f32 $1.131370830e+01, v16;
	v16 =	vld [tilespmem:s29+$0xFFFFFFF0];
	v17 =	vadd.f32 v17, v7;
	[tilespmem:s6+$0x60] =	vst v10  }
0x84: {  	v10 =	vadd.f32 v12, v6;
	v12 =	vmul.f32 $1.131370830e+01, v13;
	v13 =	vld [tilespmem:s29+$0x0];
	[tilespmem:s6+$0xFFFFFF80] =	vst v8;
	s6 =	smov.u32 s29  }
0x85: {  	v8 =	vadd.f32 v9, v5;
	v9 =	vmul.f32 $1.131370830e+01, v15;
	v15 =	vld [tilespmem:s29+$0x10];
	[tilespmem:s29+$0x70] =	vst v17  }
0x86: {  	[tilespmem:s29+$0xFFFFFF90] =	vst v10;
	v10 =	vadd.f32 v12, v4;
	v11 =	vmul.f32 $1.131370830e+01, v11;
	v17 =	vld [tilespmem:s29+$0x20]  }
.Ltmp1:
0x87: {  	[tilespmem:s29+$0xFFFFFFA0] =	vst v8;
	v8 =	vadd.f32 v9, v3;
	v12 =	vmul.f32 $1.131370830e+01, v14;
	v9 =	vld [tilespmem:s29+$0x30];
	(pc) =	sbr.rel @p0 .LBB2_5-.Ltmp1, $4  }
0x88: {  	[tilespmem:s29+$0xFFFFFFB0] =	vst v10;
	v14 =	vadd.f32 v11, v2;
	v16 =	vmul.f32 $1.131370830e+01, v16;
	v10 =	vld [tilespmem:s29+$0x40]  }
0x89: {  	[tilespmem:s29+$0xFFFFFFC0] =	vst v8;
	v18 =	vadd.f32 v12, v1;
	v19 =	vmul.f32 $1.131370830e+01, v13;
	v11 =	vld [tilespmem:s29+$0x50]  }
0x8a: {  	[tilespmem:s29+$0xFFFFFFD0] =	vst v14;
	v13 =	vadd.f32 v16, v7;
	v14 =	vmul.f32 $1.131370830e+01, v15;
	v12 =	vld [tilespmem:s29+$0x60]  }
0x8b: {  	s29 =	sadd.s32 $0x100, s29;
	v8 =	vld [tilespmem:s6+$0xFFFFFF80];
	[tilespmem:s6+$0xFFFFFFE0] =	vst v18;
	v15 =	vadd.f32 v19, v0;
	v16 =	vmul.f32 $1.131370830e+01, v17  }
0x8c: {  	[tilespmem:s6+$0xFFFFFFF0] =	vst v13;
	v6 =	vadd.f32 v14, v6;
	v7 =	vmul.f32 $1.131370830e+01, v9  }
0x8d: {  	[tilespmem:s6+$0x0] =	vst v15;
	v5 =	vadd.f32 v16, v5;
	v9 =	vmul.f32 $1.131370830e+01, v10  }
0x8e: {  	[tilespmem:s6+$0x10] =	vst v6;
	v4 =	vadd.f32 v7, v4;
	v6 =	vmul.f32 $1.131370830e+01, v11  }
0x8f: {  	[tilespmem:s6+$0x20] =	vst v5;
	v3 =	vadd.f32 v9, v3;
	v5 =	vmul.f32 $1.131370830e+01, v12  }
0x90: {  	v7 =	vmul.f32 $1.131370830e+01, v8;
	[tilespmem:s6+$0x30] =	vst v4;
	v2 =	vadd.f32 v6, v2  }
0x91: {  	s9 =	sshll.u32 s9, $0x13;
	[tilespmem:s6+$0x40] =	vst v3;
	v1 =	vadd.f32 v5, v1  }
0x92: {  	s9 =	sor.u32 s8, s9;
	v0 =	vadd.f32 v7, v0;
	[tilespmem:s6+$0x50] =	vst v2  }
0x93: {  	p0 =	seq.s32 s10, $0x9;
	s9 =	sshrl.u32 s9, $0x3;
	[tilespmem:s6+$0x60] =	vst v1  }
0x94: {  	s9 =	sadd.s32 s3, s9;
	[tilespmem:s6+$0xFFFFFF80] =	vst v0;
	s6 =	simm.s32 @!p0 $0x6  }
0x95: {  	[hbm4b:s9+s4] =	stream.linear.scatter [tilespmem:s17], [sflag:$0x7], $0x4000, $0x38;
	[tilespmem:$0x17800] =	vst v63  }
0x96: {  	_ =	swait.ge @!p0 [sflag:s6], $0x4000  }
0x97: {  	s7 =	sshra.s32 @!p0 s7, $0x2;
	s28 =	simm.s32 @!p0 $0x3800;
	[sflag:s6] =	ssyncset.done @!p0 $0x0  }
0x98: {  	s9 =	simm.s32 @!p0 $0x80;
	[sflag:s6] =	ssyncadd.s32 @!p0 $0xFFFFC000;
	s6 =	sadd.s32 @!p0 $0x280, s7  }
0x99: {  	[tilespmem:s28], [sflag:$0x1] =	stream.indirect.gather @!p0 [hbm4b:s1+s9], $0x80, s6, s9, $0xb8;
	[tilespmem:$0x17800] =	vst v63  }
0x9a: {  	s5 =	sadd.s32 $0x2, s5;
	_ =	swait.ge [sflag:s24], $0x4000  }
0x9b: {  	s29 =	sshll.u32 s5, $0x7;
	[sflag:s24] =	ssyncset.done $0x0  }
0x9c: {  	s6 =	sand.u32 $0x3FFFFF80, s29;
	[sflag:s24] =	ssyncadd.s32 $0xFFFFC000  }
0x9d: {  	v0 =	vld [tilespmem:s6+$0x1C00]  }
0x9e: {  	v6 =	vld [tilespmem:s6+$0x1C10]  }
0x9f: {  	v5 =	vld [tilespmem:s6+$0x1C20]  }
0xa0: {  	v4 =	vld [tilespmem:s6+$0x1C30]  }
0xa1: {  	v3 =	vld [tilespmem:s6+$0x1C40]  }
0xa2: {  	v2 =	vld [tilespmem:s6+$0x1C50]  }
0xa3: {  	v1 =	vld [tilespmem:s6+$0x1C60]  }
0xa4: {  	v7 =	vld [tilespmem:s6+$0x1C70];
	s6 =	simm.s32 $0xB880  }
0xa5: {  	v8 =	vld [tilespmem:s6+$0x70]  }
0xa6: {  	v9 =	vld [tilespmem:s6+$0xFFFFFF90]  }
0xa7: {  	v10 =	vld [tilespmem:s6+$0xFFFFFFA0]  }
0xa8: {  	v11 =	vld [tilespmem:s6+$0xFFFFFFB0]  }
0xa9: {  	v12 =	vld [tilespmem:s6+$0xFFFFFFC0]  }
0xaa: {  	v13 =	vld [tilespmem:s6+$0xFFFFFFD0];
	v8 =	vmul.f32 $1.131370830e+01, v8  }
0xab: {  	v14 =	vld [tilespmem:s6+$0xFFFFFFE0];
	v9 =	vmul.f32 $1.131370830e+01, v9  }
0xac: {  	v15 =	vld [tilespmem:s6+$0xFFFFFFF0];
	v10 =	vmul.f32 $1.131370830e+01, v10;
	v8 =	vadd.f32 v8, v7  }
0xad: {  	v16 =	vld [tilespmem:s6+$0x0];
	v11 =	vmul.f32 $1.131370830e+01, v11;
	v9 =	vadd.f32 v9, v6  }
0xae: {  	v17 =	vld [tilespmem:s6+$0x10];
	v12 =	vmul.f32 $1.131370830e+01, v12;
	v10 =	vadd.f32 v10, v5;
	[tilespmem:s6+$0x70] =	vst v8  }
0xaf: {  	v18 =	vld [tilespmem:s6+$0x20];
	[tilespmem:s6+$0xFFFFFF90] =	vst v9;
	v8 =	vadd.f32 v11, v4;
	v11 =	vmul.f32 $1.131370830e+01, v13  }
0xb0: {  	v12 =	vadd.f32 v12, v3;
	[tilespmem:s6+$0xFFFFFFA0] =	vst v10;
	v13 =	vmul.f32 $1.131370830e+01, v14;
	v9 =	vld [tilespmem:s6+$0x30]  }
0xb1: {  	v14 =	vmul.f32 $1.131370830e+01, v15;
	v10 =	vld [tilespmem:s6+$0x40];
	[tilespmem:s6+$0xFFFFFFB0] =	vst v8;
	v8 =	vadd.f32 v11, v2  }
0xb2: {  	v16 =	vmul.f32 $1.131370830e+01, v16;
	[tilespmem:s6+$0xFFFFFFC0] =	vst v12;
	v15 =	vadd.f32 v13, v1;
	v11 =	vld [tilespmem:s6+$0x50]  }
0xb3: {  	v12 =	vld [tilespmem:s6+$0x60];
	v13 =	vadd.f32 v14, v7;
	v14 =	vmul.f32 $1.131370830e+01, v17;
	[tilespmem:s6+$0xFFFFFFD0] =	vst v8  }
0xb4: {  	s9 =	simm.s32 $0x0;
	s28 =	simm.s32 $0xB980;
	v8 =	vld [tilespmem:s6+$0xFFFFFF80];
	[tilespmem:s6+$0xFFFFFFE0] =	vst v15;
	v15 =	vadd.f32 v16, v0;
	v16 =	vmul.f32 $1.131370830e+01, v18  }
.LBB2_7:
0xb5: {  	v17 =	vld [tilespmem:s28+$0x70];
	s9 =	sadd.s32 $0x2, s9;
	[tilespmem:s6+$0xFFFFFFF0] =	vst v13;
	v13 =	vadd.f32 v14, v6;
	v9 =	vmul.f32 $1.131370830e+01, v9  }
0xb6: {  	v14 =	vld [tilespmem:s28+$0xFFFFFF90];
	p1 =	slt.u32 s9, $0x7E;
	[tilespmem:s6+$0x0] =	vst v15;
	v15 =	vadd.f32 v16, v5;
	v10 =	vmul.f32 $1.131370830e+01, v10  }
0xb7: {  	v16 =	vld [tilespmem:s28+$0xFFFFFFA0];
	[tilespmem:s6+$0x10] =	vst v13;
	v9 =	vadd.f32 v9, v4;
	v11 =	vmul.f32 $1.131370830e+01, v11  }
0xb8: {  	v13 =	vld [tilespmem:s28+$0xFFFFFFB0];
	[tilespmem:s6+$0x20] =	vst v15;
	v10 =	vadd.f32 v10, v3;
	v12 =	vmul.f32 $1.131370830e+01, v12  }
0xb9: {  	v15 =	vld [tilespmem:s28+$0xFFFFFFC0];
	v8 =	vmul.f32 $1.131370830e+01, v8;
	[tilespmem:s6+$0x30] =	vst v9;
	v9 =	vadd.f32 v11, v2  }
0xba: {  	v11 =	vld [tilespmem:s28+$0xFFFFFFD0];
	v17 =	vmul.f32 $1.131370830e+01, v17;
	[tilespmem:s6+$0x40] =	vst v10;
	v10 =	vadd.f32 v12, v1  }
0xbb: {  	v12 =	vmul.f32 $1.131370830e+01, v14;
	v14 =	vld [tilespmem:s28+$0xFFFFFFE0];
	v8 =	vadd.f32 v8, v0;
	[tilespmem:s6+$0x50] =	vst v9  }
0xbc: {  	v9 =	vmul.f32 $1.131370830e+01, v16;
	v16 =	vld [tilespmem:s28+$0xFFFFFFF0];
	v17 =	vadd.f32 v17, v7;
	[tilespmem:s6+$0x60] =	vst v10  }
0xbd: {  	v10 =	vadd.f32 v12, v6;
	v12 =	vmul.f32 $1.131370830e+01, v13;
	v13 =	vld [tilespmem:s28+$0x0];
	[tilespmem:s6+$0xFFFFFF80] =	vst v8;
	s6 =	smov.u32 s28  }
0xbe: {  	v8 =	vadd.f32 v9, v5;
	v9 =	vmul.f32 $1.131370830e+01, v15;
	v15 =	vld [tilespmem:s28+$0x10];
	[tilespmem:s28+$0x70] =	vst v17  }
0xbf: {  	[tilespmem:s28+$0xFFFFFF90] =	vst v10;
	v10 =	vadd.f32 v12, v4;
	v11 =	vmul.f32 $1.131370830e+01, v11;
	v17 =	vld [tilespmem:s28+$0x20]  }
.Ltmp2:
0xc0: {  	[tilespmem:s28+$0xFFFFFFA0] =	vst v8;
	v8 =	vadd.f32 v9, v3;
	v12 =	vmul.f32 $1.131370830e+01, v14;
	v9 =	vld [tilespmem:s28+$0x30];
	(pc) =	sbr.rel @p1 .LBB2_7-.Ltmp2, $4  }
0xc1: {  	[tilespmem:s28+$0xFFFFFFB0] =	vst v10;
	v14 =	vadd.f32 v11, v2;
	v16 =	vmul.f32 $1.131370830e+01, v16;
	v10 =	vld [tilespmem:s28+$0x40]  }
0xc2: {  	[tilespmem:s28+$0xFFFFFFC0] =	vst v8;
	v18 =	vadd.f32 v12, v1;
	v19 =	vmul.f32 $1.131370830e+01, v13;
	v11 =	vld [tilespmem:s28+$0x50]  }
0xc3: {  	[tilespmem:s28+$0xFFFFFFD0] =	vst v14;
	v13 =	vadd.f32 v16, v7;
	v14 =	vmul.f32 $1.131370830e+01, v15;
	v12 =	vld [tilespmem:s28+$0x60]  }
0xc4: {  	s28 =	sadd.s32 $0x100, s28;
	v8 =	vld [tilespmem:s6+$0xFFFFFF80];
	[tilespmem:s6+$0xFFFFFFE0] =	vst v18;
	v15 =	vadd.f32 v19, v0;
	v16 =	vmul.f32 $1.131370830e+01, v17  }
0xc5: {  	[tilespmem:s6+$0xFFFFFFF0] =	vst v13;
	v6 =	vadd.f32 v14, v6;
	v7 =	vmul.f32 $1.131370830e+01, v9  }
0xc6: {  	[tilespmem:s6+$0x0] =	vst v15;
	v5 =	vadd.f32 v16, v5;
	v9 =	vmul.f32 $1.131370830e+01, v10  }
0xc7: {  	[tilespmem:s6+$0x10] =	vst v6;
	v4 =	vadd.f32 v7, v4;
	v6 =	vmul.f32 $1.131370830e+01, v11  }
0xc8: {  	[tilespmem:s6+$0x20] =	vst v5;
	v3 =	vadd.f32 v9, v3;
	v5 =	vmul.f32 $1.131370830e+01, v12  }
0xc9: {  	v7 =	vmul.f32 $1.131370830e+01, v8;
	[tilespmem:s6+$0x30] =	vst v4;
	v2 =	vadd.f32 v6, v2  }
0xca: {  	s5 =	sshll.u32 s5, $0x13;
	[tilespmem:s6+$0x40] =	vst v3;
	v1 =	vadd.f32 v5, v1  }
0xcb: {  	s5 =	sor.u32 s8, s5;
	v0 =	vadd.f32 v7, v0;
	[tilespmem:s6+$0x50] =	vst v2  }
0xcc: {  	s5 =	sshrl.u32 s5, $0x3;
	[tilespmem:s6+$0x60] =	vst v1  }
0xcd: {  	s5 =	sadd.s32 s3, s5;
	[tilespmem:s6+$0xFFFFFF80] =	vst v0  }
0xce: {  	[hbm4b:s5+s4] =	stream.linear.scatter [tilespmem:s19], [sflag:$0x8], $0x4000, $0x38;
	[tilespmem:$0x17800] =	vst v63  }
0xcf: {  	s5 =	simm.s32 @!p0 $0x7  }
0xd0: {  	_ =	swait.ge @!p0 [sflag:s5], $0x4000  }
0xd1: {  	s9 =	simm.s32 @!p0 $0x7800;
	[sflag:s5] =	ssyncset.done @!p0 $0x0  }
0xd2: {  	s6 =	simm.s32 @!p0 $0x80;
	[sflag:s5] =	ssyncadd.s32 @!p0 $0xFFFFC000;
	s5 =	sadd.s32 @!p0 $0x300, s7  }
0xd3: {  	[tilespmem:s9], [sflag:$0x2] =	stream.indirect.gather @!p0 [hbm4b:s1+s6], $0x80, s5, s6, $0xb8;
	[tilespmem:$0x17800] =	vst v63  }
0xd4: {  	_ =	swait.ge [sflag:s25], $0x4000  }
0xd5: {  	[sflag:s25] =	ssyncset.done $0x0  }
0xd6: {  	[sflag:s25] =	ssyncadd.s32 $0xFFFFC000  }
0xd7: {  	v0 =	vld [tilespmem:s14+$0x1C00]  }
0xd8: {  	v6 =	vld [tilespmem:s14+$0x1C10]  }
0xd9: {  	v5 =	vld [tilespmem:s14+$0x1C20]  }
0xda: {  	v4 =	vld [tilespmem:s14+$0x1C30]  }
0xdb: {  	v3 =	vld [tilespmem:s14+$0x1C40]  }
0xdc: {  	v2 =	vld [tilespmem:s14+$0x1C50]  }
0xdd: {  	v1 =	vld [tilespmem:s14+$0x1C60]  }
0xde: {  	s5 =	simm.s32 $0xF880;
	v7 =	vld [tilespmem:s14+$0x1C70]  }
0xdf: {  	v8 =	vld [tilespmem:s5+$0x70]  }
0xe0: {  	v9 =	vld [tilespmem:s5+$0xFFFFFF90]  }
0xe1: {  	v10 =	vld [tilespmem:s5+$0xFFFFFFA0]  }
0xe2: {  	v11 =	vld [tilespmem:s5+$0xFFFFFFB0]  }
0xe3: {  	v12 =	vld [tilespmem:s5+$0xFFFFFFC0]  }
0xe4: {  	v13 =	vld [tilespmem:s5+$0xFFFFFFD0];
	v8 =	vmul.f32 $1.131370830e+01, v8  }
0xe5: {  	v14 =	vld [tilespmem:s5+$0xFFFFFFE0];
	v9 =	vmul.f32 $1.131370830e+01, v9  }
0xe6: {  	v15 =	vld [tilespmem:s5+$0xFFFFFFF0];
	v10 =	vmul.f32 $1.131370830e+01, v10;
	v8 =	vadd.f32 v8, v7  }
0xe7: {  	v16 =	vld [tilespmem:s5+$0x0];
	v11 =	vmul.f32 $1.131370830e+01, v11;
	v9 =	vadd.f32 v9, v6  }
0xe8: {  	v17 =	vld [tilespmem:s5+$0x10];
	v12 =	vmul.f32 $1.131370830e+01, v12;
	v10 =	vadd.f32 v10, v5;
	[tilespmem:s5+$0x70] =	vst v8  }
0xe9: {  	v18 =	vld [tilespmem:s5+$0x20];
	[tilespmem:s5+$0xFFFFFF90] =	vst v9;
	v8 =	vadd.f32 v11, v4;
	v11 =	vmul.f32 $1.131370830e+01, v13  }
0xea: {  	v12 =	vadd.f32 v12, v3;
	[tilespmem:s5+$0xFFFFFFA0] =	vst v10;
	v13 =	vmul.f32 $1.131370830e+01, v14;
	v9 =	vld [tilespmem:s5+$0x30]  }
0xeb: {  	v14 =	vmul.f32 $1.131370830e+01, v15;
	v10 =	vld [tilespmem:s5+$0x40];
	[tilespmem:s5+$0xFFFFFFB0] =	vst v8;
	v8 =	vadd.f32 v11, v2  }
0xec: {  	v16 =	vmul.f32 $1.131370830e+01, v16;
	[tilespmem:s5+$0xFFFFFFC0] =	vst v12;
	v15 =	vadd.f32 v13, v1;
	v11 =	vld [tilespmem:s5+$0x50]  }
0xed: {  	v12 =	vld [tilespmem:s5+$0x60];
	v13 =	vadd.f32 v14, v7;
	v14 =	vmul.f32 $1.131370830e+01, v17;
	[tilespmem:s5+$0xFFFFFFD0] =	vst v8  }
0xee: {  	s6 =	simm.s32 $0x0;
	s9 =	simm.s32 $0xF980;
	v8 =	vld [tilespmem:s5+$0xFFFFFF80];
	[tilespmem:s5+$0xFFFFFFE0] =	vst v15;
	v15 =	vadd.f32 v16, v0;
	v16 =	vmul.f32 $1.131370830e+01, v18  }
.LBB2_9:
0xef: {  	v17 =	vld [tilespmem:s9+$0x70];
	s6 =	sadd.s32 $0x2, s6;
	[tilespmem:s5+$0xFFFFFFF0] =	vst v13;
	v13 =	vadd.f32 v14, v6;
	v9 =	vmul.f32 $1.131370830e+01, v9  }
0xf0: {  	v14 =	vld [tilespmem:s9+$0xFFFFFF90];
	p1 =	slt.u32 s6, $0x7E;
	[tilespmem:s5+$0x0] =	vst v15;
	v15 =	vadd.f32 v16, v5;
	v10 =	vmul.f32 $1.131370830e+01, v10  }
0xf1: {  	v16 =	vld [tilespmem:s9+$0xFFFFFFA0];
	[tilespmem:s5+$0x10] =	vst v13;
	v9 =	vadd.f32 v9, v4;
	v11 =	vmul.f32 $1.131370830e+01, v11  }
0xf2: {  	v13 =	vld [tilespmem:s9+$0xFFFFFFB0];
	[tilespmem:s5+$0x20] =	vst v15;
	v10 =	vadd.f32 v10, v3;
	v12 =	vmul.f32 $1.131370830e+01, v12  }
0xf3: {  	v15 =	vld [tilespmem:s9+$0xFFFFFFC0];
	v8 =	vmul.f32 $1.131370830e+01, v8;
	[tilespmem:s5+$0x30] =	vst v9;
	v9 =	vadd.f32 v11, v2  }
0xf4: {  	v11 =	vld [tilespmem:s9+$0xFFFFFFD0];
	v17 =	vmul.f32 $1.131370830e+01, v17;
	[tilespmem:s5+$0x40] =	vst v10;
	v10 =	vadd.f32 v12, v1  }
0xf5: {  	v12 =	vmul.f32 $1.131370830e+01, v14;
	v14 =	vld [tilespmem:s9+$0xFFFFFFE0];
	v8 =	vadd.f32 v8, v0;
	[tilespmem:s5+$0x50] =	vst v9  }
0xf6: {  	v9 =	vmul.f32 $1.131370830e+01, v16;
	v16 =	vld [tilespmem:s9+$0xFFFFFFF0];
	v17 =	vadd.f32 v17, v7;
	[tilespmem:s5+$0x60] =	vst v10  }
0xf7: {  	v10 =	vadd.f32 v12, v6;
	v12 =	vmul.f32 $1.131370830e+01, v13;
	v13 =	vld [tilespmem:s9+$0x0];
	[tilespmem:s5+$0xFFFFFF80] =	vst v8;
	s5 =	smov.u32 s9  }
0xf8: {  	v8 =	vadd.f32 v9, v5;
	v9 =	vmul.f32 $1.131370830e+01, v15;
	v15 =	vld [tilespmem:s9+$0x10];
	[tilespmem:s9+$0x70] =	vst v17  }
0xf9: {  	[tilespmem:s9+$0xFFFFFF90] =	vst v10;
	v10 =	vadd.f32 v12, v4;
	v11 =	vmul.f32 $1.131370830e+01, v11;
	v17 =	vld [tilespmem:s9+$0x20]  }
.Ltmp3:
0xfa: {  	[tilespmem:s9+$0xFFFFFFA0] =	vst v8;
	v8 =	vadd.f32 v9, v3;
	v12 =	vmul.f32 $1.131370830e+01, v14;
	v9 =	vld [tilespmem:s9+$0x30];
	(pc) =	sbr.rel @p1 .LBB2_9-.Ltmp3, $4  }
0xfb: {  	[tilespmem:s9+$0xFFFFFFB0] =	vst v10;
	v14 =	vadd.f32 v11, v2;
	v16 =	vmul.f32 $1.131370830e+01, v16;
	v10 =	vld [tilespmem:s9+$0x40]  }
0xfc: {  	[tilespmem:s9+$0xFFFFFFC0] =	vst v8;
	v18 =	vadd.f32 v12, v1;
	v19 =	vmul.f32 $1.131370830e+01, v13;
	v11 =	vld [tilespmem:s9+$0x50]  }
0xfd: {  	[tilespmem:s9+$0xFFFFFFD0] =	vst v14;
	v13 =	vadd.f32 v16, v7;
	v14 =	vmul.f32 $1.131370830e+01, v15;
	v12 =	vld [tilespmem:s9+$0x60]  }
0xfe: {  	s9 =	sadd.s32 $0x100, s9;
	v8 =	vld [tilespmem:s5+$0xFFFFFF80];
	[tilespmem:s5+$0xFFFFFFE0] =	vst v18;
	v15 =	vadd.f32 v19, v0;
	v16 =	vmul.f32 $1.131370830e+01, v17  }
0xff: {  	[tilespmem:s5+$0xFFFFFFF0] =	vst v13;
	v6 =	vadd.f32 v14, v6;
	v7 =	vmul.f32 $1.131370830e+01, v9  }
0x100: {  	[tilespmem:s5+$0x0] =	vst v15;
	v5 =	vadd.f32 v16, v5;
	v9 =	vmul.f32 $1.131370830e+01, v10  }
0x101: {  	[tilespmem:s5+$0x10] =	vst v6;
	v4 =	vadd.f32 v7, v4;
	v6 =	vmul.f32 $1.131370830e+01, v11  }
0x102: {  	[tilespmem:s5+$0x20] =	vst v5;
	v3 =	vadd.f32 v9, v3;
	v5 =	vmul.f32 $1.131370830e+01, v12  }
0x103: {  	v7 =	vmul.f32 $1.131370830e+01, v8;
	[tilespmem:s5+$0x30] =	vst v4;
	v2 =	vadd.f32 v6, v2  }
0x104: {  	s6 =	sshll.u32 s11, $0x13;
	[tilespmem:s5+$0x40] =	vst v3;
	v1 =	vadd.f32 v5, v1  }
0x105: {  	s6 =	sor.u32 s8, s6;
	v0 =	vadd.f32 v7, v0;
	[tilespmem:s5+$0x50] =	vst v2  }
0x106: {  	s6 =	sshrl.u32 s6, $0x3;
	[tilespmem:s5+$0x60] =	vst v1  }
0x107: {  	s29 =	sadd.s32 s3, s6;
	[tilespmem:s5+$0xFFFFFF80] =	vst v0;
	s5 =	simm.s32 @!p0 $0x8  }
0x108: {  	[hbm4b:s29+s4] =	stream.linear.scatter [tilespmem:s20], [sflag:$0x9], $0x4000, $0x38;
	[tilespmem:$0x17800] =	vst v63  }
0x109: {  	_ =	swait.ge @!p0 [sflag:s5], $0x4000  }
0x10a: {  	s6 =	simm.s32 @!p0 $0x80;
	[sflag:s5] =	ssyncset.done @!p0 $0x0  }
0x10b: {  	[sflag:s5] =	ssyncadd.s32 @!p0 $0xFFFFC000;
	s5 =	sadd.s32 @!p0 $0x380, s7;
	s7 =	simm.s32 @!p0 $0xB800  }
0x10c: {  	[tilespmem:s7], [sflag:$0x3] =	stream.indirect.gather @!p0 [hbm4b:s1+s6], $0x80, s5, s6, $0xb8;
	[tilespmem:$0x17800] =	vst v63  }
0x10d: {  	_ =	swait.ge [sflag:s26], $0x4000  }
0x10e: {  	[sflag:s26] =	ssyncset.done $0x0  }
0x10f: {  	[sflag:s26] =	ssyncadd.s32 $0xFFFFC000  }
0x110: {  	v0 =	vld [tilespmem:s18+$0x1C00]  }
0x111: {  	v6 =	vld [tilespmem:s18+$0x1C10]  }
0x112: {  	v5 =	vld [tilespmem:s18+$0x1C20]  }
0x113: {  	v4 =	vld [tilespmem:s18+$0x1C30]  }
0x114: {  	v3 =	vld [tilespmem:s18+$0x1C40]  }
0x115: {  	v2 =	vld [tilespmem:s18+$0x1C50]  }
0x116: {  	v1 =	vld [tilespmem:s18+$0x1C60]  }
0x117: {  	s5 =	simm.s32 $0x13880;
	v7 =	vld [tilespmem:s18+$0x1C70]  }
0x118: {  	v8 =	vld [tilespmem:s5+$0x70]  }
0x119: {  	v9 =	vld [tilespmem:s5+$0xFFFFFF90]  }
0x11a: {  	v10 =	vld [tilespmem:s5+$0xFFFFFFA0]  }
0x11b: {  	v11 =	vld [tilespmem:s5+$0xFFFFFFB0]  }
0x11c: {  	v12 =	vld [tilespmem:s5+$0xFFFFFFC0]  }
0x11d: {  	v13 =	vld [tilespmem:s5+$0xFFFFFFD0];
	v8 =	vmul.f32 $1.131370830e+01, v8  }
0x11e: {  	v14 =	vld [tilespmem:s5+$0xFFFFFFE0];
	v9 =	vmul.f32 $1.131370830e+01, v9  }
0x11f: {  	v15 =	vld [tilespmem:s5+$0xFFFFFFF0];
	v10 =	vmul.f32 $1.131370830e+01, v10;
	v8 =	vadd.f32 v8, v7  }
0x120: {  	v16 =	vld [tilespmem:s5+$0x0];
	v11 =	vmul.f32 $1.131370830e+01, v11;
	v9 =	vadd.f32 v9, v6  }
0x121: {  	v17 =	vld [tilespmem:s5+$0x10];
	v12 =	vmul.f32 $1.131370830e+01, v12;
	v10 =	vadd.f32 v10, v5;
	[tilespmem:s5+$0x70] =	vst v8  }
0x122: {  	v18 =	vld [tilespmem:s5+$0x20];
	[tilespmem:s5+$0xFFFFFF90] =	vst v9;
	v8 =	vadd.f32 v11, v4;
	v11 =	vmul.f32 $1.131370830e+01, v13  }
0x123: {  	v12 =	vadd.f32 v12, v3;
	[tilespmem:s5+$0xFFFFFFA0] =	vst v10;
	v13 =	vmul.f32 $1.131370830e+01, v14;
	v9 =	vld [tilespmem:s5+$0x30]  }
0x124: {  	v14 =	vmul.f32 $1.131370830e+01, v15;
	v10 =	vld [tilespmem:s5+$0x40];
	[tilespmem:s5+$0xFFFFFFB0] =	vst v8;
	v8 =	vadd.f32 v11, v2  }
0x125: {  	v16 =	vmul.f32 $1.131370830e+01, v16;
	[tilespmem:s5+$0xFFFFFFC0] =	vst v12;
	v15 =	vadd.f32 v13, v1;
	v11 =	vld [tilespmem:s5+$0x50]  }
0x126: {  	v12 =	vld [tilespmem:s5+$0x60];
	v13 =	vadd.f32 v14, v7;
	v14 =	vmul.f32 $1.131370830e+01, v17;
	[tilespmem:s5+$0xFFFFFFD0] =	vst v8  }
0x127: {  	s6 =	simm.s32 $0x0;
	s7 =	simm.s32 $0x13980;
	v8 =	vld [tilespmem:s5+$0xFFFFFF80];
	[tilespmem:s5+$0xFFFFFFE0] =	vst v15;
	v15 =	vadd.f32 v16, v0;
	v16 =	vmul.f32 $1.131370830e+01, v18  }
.LBB2_11:
0x128: {  	v17 =	vld [tilespmem:s7+$0x70];
	s6 =	sadd.s32 $0x2, s6;
	[tilespmem:s5+$0xFFFFFFF0] =	vst v13;
	v13 =	vadd.f32 v14, v6;
	v9 =	vmul.f32 $1.131370830e+01, v9  }
0x129: {  	v14 =	vld [tilespmem:s7+$0xFFFFFF90];
	p0 =	slt.u32 s6, $0x7E;
	[tilespmem:s5+$0x0] =	vst v15;
	v15 =	vadd.f32 v16, v5;
	v10 =	vmul.f32 $1.131370830e+01, v10  }
0x12a: {  	v16 =	vld [tilespmem:s7+$0xFFFFFFA0];
	[tilespmem:s5+$0x10] =	vst v13;
	v9 =	vadd.f32 v9, v4;
	v11 =	vmul.f32 $1.131370830e+01, v11  }
0x12b: {  	v13 =	vld [tilespmem:s7+$0xFFFFFFB0];
	[tilespmem:s5+$0x20] =	vst v15;
	v10 =	vadd.f32 v10, v3;
	v12 =	vmul.f32 $1.131370830e+01, v12  }
0x12c: {  	v15 =	vld [tilespmem:s7+$0xFFFFFFC0];
	v8 =	vmul.f32 $1.131370830e+01, v8;
	[tilespmem:s5+$0x30] =	vst v9;
	v9 =	vadd.f32 v11, v2  }
0x12d: {  	v11 =	vld [tilespmem:s7+$0xFFFFFFD0];
	v17 =	vmul.f32 $1.131370830e+01, v17;
	[tilespmem:s5+$0x40] =	vst v10;
	v10 =	vadd.f32 v12, v1  }
0x12e: {  	v12 =	vmul.f32 $1.131370830e+01, v14;
	v14 =	vld [tilespmem:s7+$0xFFFFFFE0];
	v8 =	vadd.f32 v8, v0;
	[tilespmem:s5+$0x50] =	vst v9  }
0x12f: {  	v9 =	vmul.f32 $1.131370830e+01, v16;
	v16 =	vld [tilespmem:s7+$0xFFFFFFF0];
	v17 =	vadd.f32 v17, v7;
	[tilespmem:s5+$0x60] =	vst v10  }
0x130: {  	v10 =	vadd.f32 v12, v6;
	v12 =	vmul.f32 $1.131370830e+01, v13;
	v13 =	vld [tilespmem:s7+$0x0];
	[tilespmem:s5+$0xFFFFFF80] =	vst v8;
	s5 =	smov.u32 s7  }
0x131: {  	v8 =	vadd.f32 v9, v5;
	v9 =	vmul.f32 $1.131370830e+01, v15;
	v15 =	vld [tilespmem:s7+$0x10];
	[tilespmem:s7+$0x70] =	vst v17  }
0x132: {  	[tilespmem:s7+$0xFFFFFF90] =	vst v10;
	v10 =	vadd.f32 v12, v4;
	v11 =	vmul.f32 $1.131370830e+01, v11;
	v17 =	vld [tilespmem:s7+$0x20]  }
.Ltmp4:
0x133: {  	[tilespmem:s7+$0xFFFFFFA0] =	vst v8;
	v8 =	vadd.f32 v9, v3;
	v12 =	vmul.f32 $1.131370830e+01, v14;
	v9 =	vld [tilespmem:s7+$0x30];
	(pc) =	sbr.rel @p0 .LBB2_11-.Ltmp4, $4  }
0x134: {  	[tilespmem:s7+$0xFFFFFFB0] =	vst v10;
	v14 =	vadd.f32 v11, v2;
	v16 =	vmul.f32 $1.131370830e+01, v16;
	v10 =	vld [tilespmem:s7+$0x40]  }
0x135: {  	[tilespmem:s7+$0xFFFFFFC0] =	vst v8;
	v18 =	vadd.f32 v12, v1;
	v19 =	vmul.f32 $1.131370830e+01, v13;
	v11 =	vld [tilespmem:s7+$0x50]  }
0x136: {  	[tilespmem:s7+$0xFFFFFFD0] =	vst v14;
	v13 =	vadd.f32 v16, v7;
	v14 =	vmul.f32 $1.131370830e+01, v15;
	v12 =	vld [tilespmem:s7+$0x60]  }
0x137: {  	s7 =	sadd.s32 $0x100, s7;
	v8 =	vld [tilespmem:s5+$0xFFFFFF80];
	[tilespmem:s5+$0xFFFFFFE0] =	vst v18;
	v15 =	vadd.f32 v19, v0;
	v16 =	vmul.f32 $1.131370830e+01, v17  }
0x138: {  	[tilespmem:s5+$0xFFFFFFF0] =	vst v13;
	v6 =	vadd.f32 v14, v6;
	v7 =	vmul.f32 $1.131370830e+01, v9  }
0x139: {  	[tilespmem:s5+$0x0] =	vst v15;
	v5 =	vadd.f32 v16, v5;
	v60 =	vmul.f32 $1.131370830e+01, v10  }
0x13a: {  	[tilespmem:s5+$0x10] =	vst v6;
	v4 =	vadd.f32 v7, v4;
	v61 =	vmul.f32 $1.131370830e+01, v11  }
0x13b: {  	s10 =	sadd.s32 $0x1, s10;
	[tilespmem:s5+$0x20] =	vst v5;
	v3 =	vadd.f32 v60, v3;
	v62 =	vmul.f32 $1.131370830e+01, v12  }
0x13c: {  	p0 =	sne.s32 s10, $0xA;
	v63 =	vmul.f32 $1.131370830e+01, v8;
	[tilespmem:s5+$0x30] =	vst v4;
	v2 =	vadd.f32 v61, v2  }
.Ltmp5:
0x13d: {  	s6 =	sshll.u32 s12, $0x13;
	[tilespmem:s5+$0x40] =	vst v3;
	v1 =	vadd.f32 v62, v1;
	(pc) =	sbr.rel @p0 .LBB2_2-.Ltmp5, $4  }
0x13e: {  	s6 =	sor.u32 s8, s6;
	v0 =	vadd.f32 v63, v0;
	[tilespmem:s5+$0x50] =	vst v2  }
0x13f: {  	s6 =	sshrl.u32 s6, $0x3;
	[tilespmem:s5+$0x60] =	vst v1  }
0x140: {  	s29 =	sadd.s32 s3, s6;
	[tilespmem:s5+$0xFFFFFF80] =	vst v0  }
0x141: {  	[hbm4b:s29+s4] =	stream.linear.scatter [tilespmem:s22], [sflag:$0xA], $0x4000, $0x38;
	[tilespmem:$0x17800] =	vst v63  }
0x142: {  	s5 =	simm.s32 $0x6  }
0x143: {  	_ =	swait.ge [sflag:s5], $0x4000  }
0x144: {  	[sflag:s5] =	ssyncset.done $0x0  }
0x145: {  	s28 =	simm.s32 $0x7;
	[sflag:s5] =	ssyncadd.s32 $0xFFFFC000  }
0x146: {  	_ =	swait.ge [sflag:s28], $0x4000  }
0x147: {  	[sflag:s28] =	ssyncset.done $0x0  }
0x148: {  	[sflag:s28] =	ssyncadd.s32 $0xFFFFC000  }
0x149: {  	_ =	swait.ge [sflag:s30], $0x4000  }
0x14a: {  	[sflag:s30] =	ssyncset.done $0x0  }
0x14b: {  	[sflag:s30] =	ssyncadd.s32 $0xFFFFC000  }
0x14c: {  	_ =	swait.ge [sflag:s31], $0x4000  }
0x14d: {  	[sflag:s31] =	ssyncset.done $0x0  }
0x14e: {  	[sflag:s31] =	ssyncadd.s32 $0xFFFFC000  }
0x14f: {  	_ =	swait.ge [sflag:s0], $0x4000  }
0x150: {  	s2 =	sadd.s32 $0x1, s2;
	s29 =	rddreg [dreg:$0x8]  }
0x151: {  	p0 =	sne.s32 s2, s29  }
.Ltmp6:
0x152: {  	_ = 	snop;
	(pc) =	sbr.rel @p0 .LBB2_1-.Ltmp6, $3  }
0x153: {  	_ =	sdelay $0x1  }
0x154: {  	[sflag:s0] =	ssyncset.done $0x0  }
0x155: {  	[sflag:s0] =	ssyncadd.s32 $0xFFFFC000  }
0x156: {  	_ =	sfence.sel $0x180000  }
0x157: {  	[bflag:$0x0] =	sbarrier.arrive $0xFFFF  }
0x158: {  	_ =	strace $0x90000047  }
0x159: {  	s0 =	stileid.u32;
	[bflag:$0x2] =	sbarrier.arrive $0xFFFF  }
0x15a: {  	p0 =	sne.s32 s0, $0x0;
	s0 =	rddreg [dreg:$0x4]  }
0x15b: {  	s0 =	sadd.s32 @!p0 $0x100000, s0  }
0x15c: {  	[sflag:s0] =	ssyncadd.tile.s32 @!p0 $0x1;
	_ =	shalt  }
.Lfunc_end2:
_tile_overlayer_lowered:
.L_overlay_start_2:
0x15d: {  	(tag) =	ssettag $0x2  }
0x15e: {  	s0 =	rddreg [dreg:$0x0];
	s2 =	stileid.u32  }
0x15f: {  	s1 =	rddreg [dreg:$0x1];
	p0 =	sne.s32 s2, $0x0  }
0x160: {  	s3 =	rddreg [dreg:$0x2];
	[bflag:$0x3] =	sbarrier.arrive $0xFFFF;
	s2 =	simm.s32 @!p0 $0x1C0B  }
0x161: {  	[timem:s3], [sflag:s2] =	dma.local @!p0 [hbm:s0], s1  }
0x162: {  	s0 =	simm.s32 @!p0 $0xB  }
0x163: {  	_ =	swait.ge @!p0 [sflag:s0], s1  }
0x164: {  	s1 =	ssub.s32 @!p0 $0x0, s1;
	[sflag:s0] =	ssyncset.done @!p0 $0x0  }
0x165: {  	[sflag:s0] =	ssyncadd.s32 @!p0 s1  }
0x166: {  	[bflag:$0x3] =	sbarrier.arrive $0xFFFF  }
0x167: {  	_ =	shalt  }

</sc_bundles>
